<compile_context>
chip_gen: v7x
topology: tpu7x:2x2x1
jax: 0.10.2.dev20260603
libtpu: 0.0.44.dev20260713+nightly
codegen_flags: <defaults>
</compile_context>

<pallas_src>
import jax
import jax.numpy as jnp
from jax import lax
from jax.experimental import pallas as pl
from jax.experimental.pallas import tpu as pltpu
from jax.experimental.pallas import tpu_sc as plsc

R, E, DIN, DOUT = 10000, 320000, 128, 128
NC, NS = 2, 16
NW = NC * NS
EPW = E // NW
CHUNK = 80
NCHUNK = EPW // CHUNK
NBUF = 4
RPT = 624
RREM = R - NS * RPT
ZROWS = 48


def _sc_scatter_body(c_hbm, et_hbm, out_hbm,
                     idx_bufs, rows_bufs, sems, zbuf, acc_sh):
    cid = lax.axis_index("c")
    sid = lax.axis_index("s")
    wid = sid * NC + cid

    def rows_src(jj):
        return c_hbm.at[pl.ds(wid * EPW + jj * CHUNK, CHUNK)]

    def idx_src(jj):
        return et_hbm.at[pl.ds(wid * EPW + jj * CHUNK, CHUNK)]

    def start_load(jj, b):
        pltpu.async_copy(idx_src(jj), idx_bufs[b], sems[b])
        pltpu.async_copy(rows_src(jj), rows_bufs[b], sems[b])

    def wait_load(jj, b):
        pltpu.make_async_copy(idx_src(jj), idx_bufs[b], sems[b]).wait()
        pltpu.make_async_copy(rows_src(jj), rows_bufs[b], sems[b]).wait()

    def scatter(b):
        pltpu.sync_copy(rows_bufs[b], acc_sh.at[idx_bufs[b]], add=True)

    for b in range(NBUF):
        start_load(b, b)

    zv = jnp.zeros((16,), jnp.float32)

    def zfill(r, carry):
        for kk in range(DIN // 16):
            zbuf[r, pl.ds(kk * 16, 16)] = zv
        return carry

    lax.fori_loop(0, ZROWS, zfill, 0)
    for k in range(RPT // ZROWS):
        pltpu.sync_copy(zbuf, acc_sh.at[pl.ds(sid * RPT + k * ZROWS, ZROWS)])

    @pl.when(sid == 0)
    def _():
        pltpu.sync_copy(zbuf.at[pl.ds(0, RREM)],
                        acc_sh.at[pl.ds(NS * RPT, RREM)])

    plsc.subcore_barrier()

    def body(i, carry):
        j = i * NBUF
        for b in range(NBUF):
            jj = j + b
            wait_load(jj, b)
            scatter(b)

            @pl.when(jj + NBUF < NCHUNK)
            def _():
                start_load(jj + NBUF, b)

        return carry

    lax.fori_loop(0, NCHUNK // NBUF, body, 0)

    wait_load(NCHUNK - 1, 0)
    scatter(0)

    plsc.subcore_barrier()
    pltpu.sync_copy(acc_sh.at[pl.ds(sid * RPT, RPT)],
                    out_hbm.at[cid, pl.ds(sid * RPT, RPT)])

    @pl.when(sid == 0)
    def _():
        pltpu.sync_copy(acc_sh.at[pl.ds(NS * RPT, RREM)],
                        out_hbm.at[cid, pl.ds(NS * RPT, RREM)])


def _sc_scatter(c_ijk, edge_type):
    mesh = plsc.VectorSubcoreMesh(core_axis_name="c", subcore_axis_name="s")
    f = pl.kernel(
        _sc_scatter_body,
        mesh=mesh,
        out_type=jax.ShapeDtypeStruct((NC, R, DIN), jnp.float32),
        scratch_types=[
            [pltpu.VMEM((CHUNK,), jnp.int32) for _ in range(NBUF)],
            [pltpu.VMEM((CHUNK, DIN), jnp.float32) for _ in range(NBUF)],
            [pltpu.SemaphoreType.DMA for _ in range(NBUF)],
            pltpu.VMEM((ZROWS, DIN), jnp.float32),
            pltpu.VMEM_SHARED((R, DIN), jnp.float32),
        ],
    )
    return f(c_ijk, edge_type)


BLK = 5000


def _tc_dense_body(gi_ref, p_ref, wrel_ref, w_ref, out_ref):
    g = p_ref[0] + p_ref[1]
    gp = lax.dot_general(gi_ref[...], wrel_ref[...],
                         dimension_numbers=(((1,), (1,)), ((), ())),
                         preferred_element_type=jnp.float32)
    gp = gp + jnp.dot(g, w_ref[...],
                      preferred_element_type=jnp.float32)
    nrm = jnp.sqrt(jnp.sum(gp * gp, axis=-1, keepdims=True))
    out_ref[...] = gp / jnp.maximum(nrm, 1e-12)


def kernel(g_initial, c_ijk, W, W_rel, edge_type):
    partial = _sc_scatter(c_ijk, edge_type)
    out = pl.pallas_call(
        _tc_dense_body,
        grid=(R // BLK,),
        in_specs=[
            pl.BlockSpec((BLK, DIN), lambda i: (i, 0)),
            pl.BlockSpec((NC, BLK, DIN), lambda i: (0, i, 0)),
            pl.BlockSpec((DOUT, DIN), lambda i: (0, 0)),
            pl.BlockSpec((DIN, DOUT), lambda i: (0, 0)),
        ],
        out_specs=pl.BlockSpec((BLK, DOUT), lambda i: (i, 0)),
        out_shape=jax.ShapeDtypeStruct((R, DOUT), jnp.float32),
    )(g_initial, partial, W_rel, W)
    return out

# --- scband reference (transcript-rebuilt; emitter-appended) ---
"""Pipeline reference for scband-relation-layer-56341380988951 (READ-ONLY COPY).

The authoritative reference and input builder live on the scoring server;
editing this copy changes nothing except your own understanding.
"""

import jax, jax.numpy as jnp
import numpy as np

R, E, DIN, DOUT = 10000, 320000, 128, 128

def setup_inputs(seed: int = 0) -> dict:
    key = jax.random.key(seed)
    k1, k2, k3, k4, k5 = jax.random.split(key, 5)
    g_initial = jax.random.normal(k1, (R, DIN), dtype=jnp.float32)
    c_ijk = jax.random.normal(k2, (E, DIN), dtype=jnp.float32)
    edge_type = jax.random.randint(k3, (E,), 0, R, dtype=jnp.int32)
    # Parameters (match torch inits approximately):
    # W: xavier_uniform_(gain=1.414) on shape (in_size, out_size)
    bound_W = 1.414 * np.sqrt(6.0 / (DIN + DOUT))
    W = jax.random.uniform(k4, (DIN, DOUT), dtype=jnp.float32, minval=-bound_W, maxval=bound_W)
    # weights_rel: nn.Linear(in, out, bias=False) -> weight shape (out_size, in_size), xavier_normal_(gain=1.414)
    std_rel = 1.414 * np.sqrt(2.0 / (DIN + DOUT))
    W_rel = jax.random.normal(k5, (DOUT, DIN), dtype=jnp.float32) * std_rel
    return {"g_initial": g_initial, "c_ijk": c_ijk, "W": W, "W_rel": W_rel, "edge_type": edge_type}

def reference(g_initial, c_ijk, W, W_rel, edge_type):
    # g = scatter_add(c_ijk, edge_type, dim=0)  -> shape (R, DIN)
    g = jnp.zeros((g_initial.shape[0], c_ijk.shape[1]), dtype=c_ijk.dtype).at[edge_type].add(c_ijk)
    g = jnp.squeeze(g)
    # g_prime = Linear(g_initial) + g @ W
    g_prime = g_initial @ W_rel.T + g @ W
    # F.normalize(g_prime, p=2, dim=-1) with eps=1e-12
    norm = jnp.sqrt(jnp.sum(g_prime * g_prime, axis=-1, keepdims=True))
    g_prime = g_prime / jnp.maximum(norm, 1e-12)
    return g_prime

if __name__ == "__main__":
    import jax
    _d = setup_inputs()
    print(jax.jit(kernel)(*tuple(_d.values())))

</pallas_src>

<mosaic_0001>
#map = affine_map<(d0, d1) -> (0, 0)>
#map1 = affine_map<(d0, d1) -> (0)>
#map2 = affine_map<(d0, d1) -> (0, 0, 0)>
module attributes {stable_mosaic.version = 14 : i64} {
  func.func @_sc_scatter_body(%arg0: i32, %arg1: i32, %arg2: memref<320000x128xf32, #tpu.memory_space<hbm>>, %arg3: memref<320000xi32, #tpu.memory_space<hbm>>, %arg4: memref<2x10000x128xf32, #tpu.memory_space<hbm>>, %arg5: memref<80xi32, #tpu.memory_space<vmem>>, %arg6: memref<80xi32, #tpu.memory_space<vmem>>, %arg7: memref<80xi32, #tpu.memory_space<vmem>>, %arg8: memref<80xi32, #tpu.memory_space<vmem>>, %arg9: memref<80x128xf32, #tpu.memory_space<vmem>>, %arg10: memref<80x128xf32, #tpu.memory_space<vmem>>, %arg11: memref<80x128xf32, #tpu.memory_space<vmem>>, %arg12: memref<80x128xf32, #tpu.memory_space<vmem>>, %arg13: memref<!tpu.dma_semaphore, #tpu.memory_space<semaphore_mem>>, %arg14: memref<!tpu.dma_semaphore, #tpu.memory_space<semaphore_mem>>, %arg15: memref<!tpu.dma_semaphore, #tpu.memory_space<semaphore_mem>>, %arg16: memref<!tpu.dma_semaphore, #tpu.memory_space<semaphore_mem>>, %arg17: memref<48x128xf32, #tpu.memory_space<vmem>>, %arg18: memref<10000x128xf32, #tpu.memory_space<vmem_shared>>) attributes {dimension_semantics = [#tpu.dimension_semantics<core_parallel>, #tpu.dimension_semantics<subcore_parallel>], iteration_bounds = array<i64: 2, 16>, scalar_prefetch = 0 : i64, scratch_operands = 14 : i64, tpu.core_type = #tpu.core_type<sc_vector_subcore>, window_params = [{transform_indices = #map}, {transform_indices = #map1}, {transform_indices = #map2}]} {
    %mul3A = arith.constant 2 : i32
    %mul3A_0 = arith.muli %arg1, %mul3A : i32
    %add3A = arith.addi %mul3A_0, %arg0 : i32
    %mul3A_1 = arith.constant 10000 : i32
    %mul3A_2 = arith.muli %add3A, %mul3A_1 : i32
    %add3A_3 = arith.constant 0 : i32
    %add3A_4 = arith.addi %mul3A_2, %add3A_3 : i32
    %dma_start3A = tpu.memref_slice %arg3[%add3A_4] : memref<320000xi32, #tpu.memory_space<hbm>> -> memref<80xi32, #tpu.memory_space<hbm>>
    %dma_start3A_5 = tpu.memref_slice %arg3[%add3A_4] : memref<320000xi32, #tpu.memory_space<hbm>> -> memref<80xi32, #tpu.memory_space<hbm>>
    tpu.enqueue_dma source(%dma_start3A_5 : memref<80xi32, #tpu.memory_space<hbm>>) target(%arg5 : memref<80xi32, #tpu.memory_space<vmem>>) target_semaphore(%arg13 : memref<!tpu.dma_semaphore, #tpu.memory_space<semaphore_mem>>)
    %mul3A_6 = arith.constant 10000 : i32
    %mul3A_7 = arith.muli %add3A, %mul3A_6 : i32
    %add3A_8 = arith.constant 0 : i32
    %add3A_9 = arith.addi %mul3A_7, %add3A_8 : i32
    %dma_start3A_10 = arith.constant 0 : i32
    %dma_start3A_11 = tpu.memref_slice %arg2[%add3A_9, %dma_start3A_10] : memref<320000x128xf32, #tpu.memory_space<hbm>> -> memref<80x128xf32, #tpu.memory_space<hbm>>
    %dma_start3A_12 = arith.constant 0 : i32
    %dma_start3A_13 = tpu.memref_slice %arg2[%add3A_9, %dma_start3A_12] : memref<320000x128xf32, #tpu.memory_space<hbm>> -> memref<80x128xf32, #tpu.memory_space<hbm>>
    tpu.enqueue_dma source(%dma_start3A_13 : memref<80x128xf32, #tpu.memory_space<hbm>>) target(%arg9 : memref<80x128xf32, #tpu.memory_space<vmem>>) target_semaphore(%arg13 : memref<!tpu.dma_semaphore, #tpu.memory_space<semaphore_mem>>)
    %mul3A_14 = arith.constant 10000 : i32
    %mul3A_15 = arith.muli %add3A, %mul3A_14 : i32
    %add3A_16 = arith.constant 80 : i32
    %add3A_17 = arith.addi %mul3A_15, %add3A_16 : i32
    %dma_start3A_18 = tpu.memref_slice %arg3[%add3A_17] : memref<320000xi32, #tpu.memory_space<hbm>> -> memref<80xi32, #tpu.memory_space<hbm>>
    %dma_start3A_19 = tpu.memref_slice %arg3[%add3A_17] : memref<320000xi32, #tpu.memory_space<hbm>> -> memref<80xi32, #tpu.memory_space<hbm>>
    tpu.enqueue_dma source(%dma_start3A_19 : memref<80xi32, #tpu.memory_space<hbm>>) target(%arg6 : memref<80xi32, #tpu.memory_space<vmem>>) target_semaphore(%arg14 : memref<!tpu.dma_semaphore, #tpu.memory_space<semaphore_mem>>)
    %mul3A_20 = arith.constant 10000 : i32
    %mul3A_21 = arith.muli %add3A, %mul3A_20 : i32
    %add3A_22 = arith.constant 80 : i32
    %add3A_23 = arith.addi %mul3A_21, %add3A_22 : i32
    %dma_start3A_24 = arith.constant 0 : i32
    %dma_start3A_25 = tpu.memref_slice %arg2[%add3A_23, %dma_start3A_24] : memref<320000x128xf32, #tpu.memory_space<hbm>> -> memref<80x128xf32, #tpu.memory_space<hbm>>
    %dma_start3A_26 = arith.constant 0 : i32
    %dma_start3A_27 = tpu.memref_slice %arg2[%add3A_23, %dma_start3A_26] : memref<320000x128xf32, #tpu.memory_space<hbm>> -> memref<80x128xf32, #tpu.memory_space<hbm>>
    tpu.enqueue_dma source(%dma_start3A_27 : memref<80x128xf32, #tpu.memory_space<hbm>>) target(%arg10 : memref<80x128xf32, #tpu.memory_space<vmem>>) target_semaphore(%arg14 : memref<!tpu.dma_semaphore, #tpu.memory_space<semaphore_mem>>)
    %mul3A_28 = arith.constant 10000 : i32
    %mul3A_29 = arith.muli %add3A, %mul3A_28 : i32
    %add3A_30 = arith.constant 160 : i32
    %add3A_31 = arith.addi %mul3A_29, %add3A_30 : i32
    %dma_start3A_32 = tpu.memref_slice %arg3[%add3A_31] : memref<320000xi32, #tpu.memory_space<hbm>> -> memref<80xi32, #tpu.memory_space<hbm>>
    %dma_start3A_33 = tpu.memref_slice %arg3[%add3A_31] : memref<320000xi32, #tpu.memory_space<hbm>> -> memref<80xi32, #tpu.memory_space<hbm>>
    tpu.enqueue_dma source(%dma_start3A_33 : memref<80xi32, #tpu.memory_space<hbm>>) target(%arg7 : memref<80xi32, #tpu.memory_space<vmem>>) target_semaphore(%arg15 : memref<!tpu.dma_semaphore, #tpu.memory_space<semaphore_mem>>)
    %mul3A_34 = arith.constant 10000 : i32
    %mul3A_35 = arith.muli %add3A, %mul3A_34 : i32
    %add3A_36 = arith.constant 160 : i32
    %add3A_37 = arith.addi %mul3A_35, %add3A_36 : i32
    %dma_start3A_38 = arith.constant 0 : i32
    %dma_start3A_39 = tpu.memref_slice %arg2[%add3A_37, %dma_start3A_38] : memref<320000x128xf32, #tpu.memory_space<hbm>> -> memref<80x128xf32, #tpu.memory_space<hbm>>
    %dma_start3A_40 = arith.constant 0 : i32
    %dma_start3A_41 = tpu.memref_slice %arg2[%add3A_37, %dma_start3A_40] : memref<320000x128xf32, #tpu.memory_space<hbm>> -> memref<80x128xf32, #tpu.memory_space<hbm>>
    tpu.enqueue_dma source(%dma_start3A_41 : memref<80x128xf32, #tpu.memory_space<hbm>>) target(%arg11 : memref<80x128xf32, #tpu.memory_space<vmem>>) target_semaphore(%arg15 : memref<!tpu.dma_semaphore, #tpu.memory_space<semaphore_mem>>)
    %mul3A_42 = arith.constant 10000 : i32
    %mul3A_43 = arith.muli %add3A, %mul3A_42 : i32
    %add3A_44 = arith.constant 240 : i32
    %add3A_45 = arith.addi %mul3A_43, %add3A_44 : i32
    %dma_start3A_46 = tpu.memref_slice %arg3[%add3A_45] : memref<320000xi32, #tpu.memory_space<hbm>> -> memref<80xi32, #tpu.memory_space<hbm>>
    %dma_start3A_47 = tpu.memref_slice %arg3[%add3A_45] : memref<320000xi32, #tpu.memory_space<hbm>> -> memref<80xi32, #tpu.memory_space<hbm>>
    tpu.enqueue_dma source(%dma_start3A_47 : memref<80xi32, #tpu.memory_space<hbm>>) target(%arg8 : memref<80xi32, #tpu.memory_space<vmem>>) target_semaphore(%arg16 : memref<!tpu.dma_semaphore, #tpu.memory_space<semaphore_mem>>)
    %mul3A_48 = arith.constant 10000 : i32
    %mul3A_49 = arith.muli %add3A, %mul3A_48 : i32
    %add3A_50 = arith.constant 240 : i32
    %add3A_51 = arith.addi %mul3A_49, %add3A_50 : i32
    %dma_start3A_52 = arith.constant 0 : i32
    %dma_start3A_53 = tpu.memref_slice %arg2[%add3A_51, %dma_start3A_52] : memref<320000x128xf32, #tpu.memory_space<hbm>> -> memref<80x128xf32, #tpu.memory_space<hbm>>
    %dma_start3A_54 = arith.constant 0 : i32
    %dma_start3A_55 = tpu.memref_slice %arg2[%add3A_51, %dma_start3A_54] : memref<320000x128xf32, #tpu.memory_space<hbm>> -> memref<80x128xf32, #tpu.memory_space<hbm>>
    tpu.enqueue_dma source(%dma_start3A_55 : memref<80x128xf32, #tpu.memory_space<hbm>>) target(%arg12 : memref<80x128xf32, #tpu.memory_space<vmem>>) target_semaphore(%arg16 : memref<!tpu.dma_semaphore, #tpu.memory_space<semaphore_mem>>)
    %broadcast_in_dim3A = arith.constant 0.000000e+00 : f32
    %broadcast_in_dim3A_56 = vector.broadcast %broadcast_in_dim3A : f32 to vector<16xf32>
    %scan3A = arith.constant 0 : i32
    %scan3A_57 = arith.constant 0 : i32
    %scan3A_58 = arith.constant 48 : i32
    %scan3A_59 = arith.addi %scan3A_57, %scan3A_58 : i32
    %scan3A_60 = arith.constant 1 : i32
    scf.for %scan3A_145 = %scan3A_57 to %scan3A_59 step %scan3A_60  : i32 {
      %swap3A = arith.index_cast %scan3A_145 : i32 to index
      %swap3A_146 = arith.constant 0 : index
      %swap3A_147 = tpu.vector_load %arg17[%swap3A, %swap3A_146] {strides = array<i32>} : memref<48x128xf32, #tpu.memory_space<vmem>>, vector<1x16xf32>,
      %swap3A_148 = vector.shape_cast %swap3A_147 : vector<1x16xf32> to vector<16xf32>
      %swap3A_149 = vector.shape_cast %broadcast_in_dim3A_56 : vector<16xf32> to vector<1x16xf32>
      tpu.vector_store %arg17[%swap3A, %swap3A_146], %swap3A_149 {strides = array<i32>} : memref<48x128xf32, #tpu.memory_space<vmem>>, vector<1x16xf32>,
      %swap3A_150 = arith.index_cast %scan3A_145 : i32 to index
      %swap3A_151 = arith.constant 16 : index
      %swap3A_152 = tpu.vector_load %arg17[%swap3A_150, %swap3A_151] {strides = array<i32>} : memref<48x128xf32, #tpu.memory_space<vmem>>, vector<1x16xf32>,
      %swap3A_153 = vector.shape_cast %swap3A_152 : vector<1x16xf32> to vector<16xf32>
      %swap3A_154 = vector.shape_cast %broadcast_in_dim3A_56 : vector<16xf32> to vector<1x16xf32>
      tpu.vector_store %arg17[%swap3A_150, %swap3A_151], %swap3A_154 {strides = array<i32>} : memref<48x128xf32, #tpu.memory_space<vmem>>, vector<1x16xf32>,
      %swap3A_155 = arith.index_cast %scan3A_145 : i32 to index
      %swap3A_156 = arith.constant 32 : index
      %swap3A_157 = tpu.vector_load %arg17[%swap3A_155, %swap3A_156] {strides = array<i32>} : memref<48x128xf32, #tpu.memory_space<vmem>>, vector<1x16xf32>,
      %swap3A_158 = vector.shape_cast %swap3A_157 : vector<1x16xf32> to vector<16xf32>
      %swap3A_159 = vector.shape_cast %broadcast_in_dim3A_56 : vector<16xf32> to vector<1x16xf32>
      tpu.vector_store %arg17[%swap3A_155, %swap3A_156], %swap3A_159 {strides = array<i32>} : memref<48x128xf32, #tpu.memory_space<vmem>>, vector<1x16xf32>,
      %swap3A_160 = arith.index_cast %scan3A_145 : i32 to index
      %swap3A_161 = arith.constant 48 : index
      %swap3A_162 = tpu.vector_load %arg17[%swap3A_160, %swap3A_161] {strides = array<i32>} : memref<48x128xf32, #tpu.memory_space<vmem>>, vector<1x16xf32>,
      %swap3A_163 = vector.shape_cast %swap3A_162 : vector<1x16xf32> to vector<16xf32>
      %swap3A_164 = vector.shape_cast %broadcast_in_dim3A_56 : vector<16xf32> to vector<1x16xf32>
      tpu.vector_store %arg17[%swap3A_160, %swap3A_161], %swap3A_164 {strides = array<i32>} : memref<48x128xf32, #tpu.memory_space<vmem>>, vector<1x16xf32>,
      %swap3A_165 = arith.index_cast %scan3A_145 : i32 to index
      %swap3A_166 = arith.constant 64 : index
      %swap3A_167 = tpu.vector_load %arg17[%swap3A_165, %swap3A_166] {strides = array<i32>} : memref<48x128xf32, #tpu.memory_space<vmem>>, vector<1x16xf32>,
      %swap3A_168 = vector.shape_cast %swap3A_167 : vector<1x16xf32> to vector<16xf32>
      %swap3A_169 = vector.shape_cast %broadcast_in_dim3A_56 : vector<16xf32> to vector<1x16xf32>
      tpu.vector_store %arg17[%swap3A_165, %swap3A_166], %swap3A_169 {strides = array<i32>} : memref<48x128xf32, #tpu.memory_space<vmem>>, vector<1x16xf32>,
      %swap3A_170 = arith.index_cast %scan3A_145 : i32 to index
      %swap3A_171 = arith.constant 80 : index
      %swap3A_172 = tpu.vector_load %arg17[%swap3A_170, %swap3A_171] {strides = array<i32>} : memref<48x128xf32, #tpu.memory_space<vmem>>, vector<1x16xf32>,
      %swap3A_173 = vector.shape_cast %swap3A_172 : vector<1x16xf32> to vector<16xf32>
      %swap3A_174 = vector.shape_cast %broadcast_in_dim3A_56 : vector<16xf32> to vector<1x16xf32>
      tpu.vector_store %arg17[%swap3A_170, %swap3A_171], %swap3A_174 {strides = array<i32>} : memref<48x128xf32, #tpu.memory_space<vmem>>, vector<1x16xf32>,
      %swap3A_175 = arith.index_cast %scan3A_145 : i32 to index
      %swap3A_176 = arith.constant 96 : index
      %swap3A_177 = tpu.vector_load %arg17[%swap3A_175, %swap3A_176] {strides = array<i32>} : memref<48x128xf32, #tpu.memory_space<vmem>>, vector<1x16xf32>,
      %swap3A_178 = vector.shape_cast %swap3A_177 : vector<1x16xf32> to vector<16xf32>
      %swap3A_179 = vector.shape_cast %broadcast_in_dim3A_56 : vector<16xf32> to vector<1x16xf32>
      tpu.vector_store %arg17[%swap3A_175, %swap3A_176], %swap3A_179 {strides = array<i32>} : memref<48x128xf32, #tpu.memory_space<vmem>>, vector<1x16xf32>,
      %swap3A_180 = arith.index_cast %scan3A_145 : i32 to index
      %swap3A_181 = arith.constant 112 : index
      %swap3A_182 = tpu.vector_load %arg17[%swap3A_180, %swap3A_181] {strides = array<i32>} : memref<48x128xf32, #tpu.memory_space<vmem>>, vector<1x16xf32>,
      %swap3A_183 = vector.shape_cast %swap3A_182 : vector<1x16xf32> to vector<16xf32>
      %swap3A_184 = vector.shape_cast %broadcast_in_dim3A_56 : vector<16xf32> to vector<1x16xf32>
      tpu.vector_store %arg17[%swap3A_180, %swap3A_181], %swap3A_184 {strides = array<i32>} : memref<48x128xf32, #tpu.memory_space<vmem>>, vector<1x16xf32>,
    }
    %scan3A_61 = arith.constant 48 : i32
    %mul3A_62 = arith.constant 624 : i32
    %mul3A_63 = arith.muli %arg1, %mul3A_62 : i32
    %add3A_64 = arith.constant 0 : i32
    %add3A_65 = arith.addi %mul3A_63, %add3A_64 : i32
    "tpu.region"() ({
      %run_scoped3A = tpu.sem_alloc : memref<!tpu.dma_semaphore, #tpu.memory_space<semaphore_mem>>
      %dma_start3A_145 = arith.constant 0 : i32
      %dma_start3A_146 = tpu.memref_slice %arg18[%add3A_65, %dma_start3A_145] : memref<10000x128xf32, #tpu.memory_space<vmem_shared>> -> memref<48x128xf32, #tpu.memory_space<vmem_shared>>
      %dma_start3A_147 = arith.constant 0 : i32
      %dma_start3A_148 = tpu.memref_slice %arg18[%add3A_65, %dma_start3A_147] : memref<10000x128xf32, #tpu.memory_space<vmem_shared>> -> memref<48x128xf32, #tpu.memory_space<vmem_shared>>
      tpu.enqueue_dma source(%arg17 : memref<48x128xf32, #tpu.memory_space<vmem>>) target(%dma_start3A_148 : memref<48x128xf32, #tpu.memory_space<vmem_shared>>) target_semaphore(%run_scoped3A : memref<!tpu.dma_semaphore, #tpu.memory_space<semaphore_mem>>)
      %dma_wait3A_149 = arith.constant 0 : i32
      %dma_wait3A_150 = tpu.memref_slice %arg18[%add3A_65, %dma_wait3A_149] : memref<10000x128xf32, #tpu.memory_space<vmem_shared>> -> memref<48x128xf32, #tpu.memory_space<vmem_shared>>
      %dma_wait3A_151 = arith.constant 0 : i32
      %dma_wait3A_152 = tpu.memref_slice %arg18[%add3A_65, %dma_wait3A_151] : memref<10000x128xf32, #tpu.memory_space<vmem_shared>> -> memref<48x128xf32, #tpu.memory_space<vmem_shared>>
      tpu.wait_dma2 semaphore(%run_scoped3A : memref<!tpu.dma_semaphore, #tpu.memory_space<semaphore_mem>>) src(%arg17 : memref<48x128xf32, #tpu.memory_space<vmem>>) dst(%dma_wait3A_152 : memref<48x128xf32, #tpu.memory_space<vmem_shared>>)
      tpu.yield
    }) : () -> ()
    %mul3A_66 = arith.constant 624 : i32
    %mul3A_67 = arith.muli %arg1, %mul3A_66 : i32
    %add3A_68 = arith.constant 48 : i32
    %add3A_69 = arith.addi %mul3A_67, %add3A_68 : i32
    "tpu.region"() ({
      %run_scoped3A = tpu.sem_alloc : memref<!tpu.dma_semaphore, #tpu.memory_space<semaphore_mem>>
      %dma_start3A_145 = arith.constant 0 : i32
      %dma_start3A_146 = tpu.memref_slice %arg18[%add3A_69, %dma_start3A_145] : memref<10000x128xf32, #tpu.memory_space<vmem_shared>> -> memref<48x128xf32, #tpu.memory_space<vmem_shared>>
      %dma_start3A_147 = arith.constant 0 : i32
      %dma_start3A_148 = tpu.memref_slice %arg18[%add3A_69, %dma_start3A_147] : memref<10000x128xf32, #tpu.memory_space<vmem_shared>> -> memref<48x128xf32, #tpu.memory_space<vmem_shared>>
      tpu.enqueue_dma source(%arg17 : memref<48x128xf32, #tpu.memory_space<vmem>>) target(%dma_start3A_148 : memref<48x128xf32, #tpu.memory_space<vmem_shared>>) target_semaphore(%run_scoped3A : memref<!tpu.dma_semaphore, #tpu.memory_space<semaphore_mem>>)
      %dma_wait3A_149 = arith.constant 0 : i32
      %dma_wait3A_150 = tpu.memref_slice %arg18[%add3A_69, %dma_wait3A_149] : memref<10000x128xf32, #tpu.memory_space<vmem_shared>> -> memref<48x128xf32, #tpu.memory_space<vmem_shared>>
      %dma_wait3A_151 = arith.constant 0 : i32
      %dma_wait3A_152 = tpu.memref_slice %arg18[%add3A_69, %dma_wait3A_151] : memref<10000x128xf32, #tpu.memory_space<vmem_shared>> -> memref<48x128xf32, #tpu.memory_space<vmem_shared>>
      tpu.wait_dma2 semaphore(%run_scoped3A : memref<!tpu.dma_semaphore, #tpu.memory_space<semaphore_mem>>) src(%arg17 : memref<48x128xf32, #tpu.memory_space<vmem>>) dst(%dma_wait3A_152 : memref<48x128xf32, #tpu.memory_space<vmem_shared>>)
      tpu.yield
    }) : () -> ()
    %mul3A_70 = arith.constant 624 : i32
    %mul3A_71 = arith.muli %arg1, %mul3A_70 : i32
    %add3A_72 = arith.constant 96 : i32
    %add3A_73 = arith.addi %mul3A_71, %add3A_72 : i32
    "tpu.region"() ({
      %run_scoped3A = tpu.sem_alloc : memref<!tpu.dma_semaphore, #tpu.memory_space<semaphore_mem>>
      %dma_start3A_145 = arith.constant 0 : i32
      %dma_start3A_146 = tpu.memref_slice %arg18[%add3A_73, %dma_start3A_145] : memref<10000x128xf32, #tpu.memory_space<vmem_shared>> -> memref<48x128xf32, #tpu.memory_space<vmem_shared>>
      %dma_start3A_147 = arith.constant 0 : i32
      %dma_start3A_148 = tpu.memref_slice %arg18[%add3A_73, %dma_start3A_147] : memref<10000x128xf32, #tpu.memory_space<vmem_shared>> -> memref<48x128xf32, #tpu.memory_space<vmem_shared>>
      tpu.enqueue_dma source(%arg17 : memref<48x128xf32, #tpu.memory_space<vmem>>) target(%dma_start3A_148 : memref<48x128xf32, #tpu.memory_space<vmem_shared>>) target_semaphore(%run_scoped3A : memref<!tpu.dma_semaphore, #tpu.memory_space<semaphore_mem>>)
      %dma_wait3A_149 = arith.constant 0 : i32
      %dma_wait3A_150 = tpu.memref_slice %arg18[%add3A_73, %dma_wait3A_149] : memref<10000x128xf32, #tpu.memory_space<vmem_shared>> -> memref<48x128xf32, #tpu.memory_space<vmem_shared>>
      %dma_wait3A_151 = arith.constant 0 : i32
      %dma_wait3A_152 = tpu.memref_slice %arg18[%add3A_73, %dma_wait3A_151] : memref<10000x128xf32, #tpu.memory_space<vmem_shared>> -> memref<48x128xf32, #tpu.memory_space<vmem_shared>>
      tpu.wait_dma2 semaphore(%run_scoped3A : memref<!tpu.dma_semaphore, #tpu.memory_space<semaphore_mem>>) src(%arg17 : memref<48x128xf32, #tpu.memory_space<vmem>>) dst(%dma_wait3A_152 : memref<48x128xf32, #tpu.memory_space<vmem_shared>>)
      tpu.yield
    }) : () -> ()
    %mul3A_74 = arith.constant 624 : i32
    %mul3A_75 = arith.muli %arg1, %mul3A_74 : i32
    %add3A_76 = arith.constant 144 : i32
    %add3A_77 = arith.addi %mul3A_75, %add3A_76 : i32
    "tpu.region"() ({
      %run_scoped3A = tpu.sem_alloc : memref<!tpu.dma_semaphore, #tpu.memory_space<semaphore_mem>>
      %dma_start3A_145 = arith.constant 0 : i32
      %dma_start3A_146 = tpu.memref_slice %arg18[%add3A_77, %dma_start3A_145] : memref<10000x128xf32, #tpu.memory_space<vmem_shared>> -> memref<48x128xf32, #tpu.memory_space<vmem_shared>>
      %dma_start3A_147 = arith.constant 0 : i32
      %dma_start3A_148 = tpu.memref_slice %arg18[%add3A_77, %dma_start3A_147] : memref<10000x128xf32, #tpu.memory_space<vmem_shared>> -> memref<48x128xf32, #tpu.memory_space<vmem_shared>>
      tpu.enqueue_dma source(%arg17 : memref<48x128xf32, #tpu.memory_space<vmem>>) target(%dma_start3A_148 : memref<48x128xf32, #tpu.memory_space<vmem_shared>>) target_semaphore(%run_scoped3A : memref<!tpu.dma_semaphore, #tpu.memory_space<semaphore_mem>>)
      %dma_wait3A_149 = arith.constant 0 : i32
      %dma_wait3A_150 = tpu.memref_slice %arg18[%add3A_77, %dma_wait3A_149] : memref<10000x128xf32, #tpu.memory_space<vmem_shared>> -> memref<48x128xf32, #tpu.memory_space<vmem_shared>>
      %dma_wait3A_151 = arith.constant 0 : i32
      %dma_wait3A_152 = tpu.memref_slice %arg18[%add3A_77, %dma_wait3A_151] : memref<10000x128xf32, #tpu.memory_space<vmem_shared>> -> memref<48x128xf32, #tpu.memory_space<vmem_shared>>
      tpu.wait_dma2 semaphore(%run_scoped3A : memref<!tpu.dma_semaphore, #tpu.memory_space<semaphore_mem>>) src(%arg17 : memref<48x128xf32, #tpu.memory_space<vmem>>) dst(%dma_wait3A_152 : memref<48x128xf32, #tpu.memory_space<vmem_shared>>)
      tpu.yield
    }) : () -> ()
    %mul3A_78 = arith.constant 624 : i32
    %mul3A_79 = arith.muli %arg1, %mul3A_78 : i32
    %add3A_80 = arith.constant 192 : i32
    %add3A_81 = arith.addi %mul3A_79, %add3A_80 : i32
    "tpu.region"() ({
      %run_scoped3A = tpu.sem_alloc : memref<!tpu.dma_semaphore, #tpu.memory_space<semaphore_mem>>
      %dma_start3A_145 = arith.constant 0 : i32
      %dma_start3A_146 = tpu.memref_slice %arg18[%add3A_81, %dma_start3A_145] : memref<10000x128xf32, #tpu.memory_space<vmem_shared>> -> memref<48x128xf32, #tpu.memory_space<vmem_shared>>
      %dma_start3A_147 = arith.constant 0 : i32
      %dma_start3A_148 = tpu.memref_slice %arg18[%add3A_81, %dma_start3A_147] : memref<10000x128xf32, #tpu.memory_space<vmem_shared>> -> memref<48x128xf32, #tpu.memory_space<vmem_shared>>
      tpu.enqueue_dma source(%arg17 : memref<48x128xf32, #tpu.memory_space<vmem>>) target(%dma_start3A_148 : memref<48x128xf32, #tpu.memory_space<vmem_shared>>) target_semaphore(%run_scoped3A : memref<!tpu.dma_semaphore, #tpu.memory_space<semaphore_mem>>)
      %dma_wait3A_149 = arith.constant 0 : i32
      %dma_wait3A_150 = tpu.memref_slice %arg18[%add3A_81, %dma_wait3A_149] : memref<10000x128xf32, #tpu.memory_space<vmem_shared>> -> memref<48x128xf32, #tpu.memory_space<vmem_shared>>
      %dma_wait3A_151 = arith.constant 0 : i32
      %dma_wait3A_152 = tpu.memref_slice %arg18[%add3A_81, %dma_wait3A_151] : memref<10000x128xf32, #tpu.memory_space<vmem_shared>> -> memref<48x128xf32, #tpu.memory_space<vmem_shared>>
      tpu.wait_dma2 semaphore(%run_scoped3A : memref<!tpu.dma_semaphore, #tpu.memory_space<semaphore_mem>>) src(%arg17 : memref<48x128xf32, #tpu.memory_space<vmem>>) dst(%dma_wait3A_152 : memref<48x128xf32, #tpu.memory_space<vmem_shared>>)
      tpu.yield
    }) : () -> ()
    %mul3A_82 = arith.constant 624 : i32
    %mul3A_83 = arith.muli %arg1, %mul3A_82 : i32
    %add3A_84 = arith.constant 240 : i32
    %add3A_85 = arith.addi %mul3A_83, %add3A_84 : i32
    "tpu.region"() ({
      %run_scoped3A = tpu.sem_alloc : memref<!tpu.dma_semaphore, #tpu.memory_space<semaphore_mem>>
      %dma_start3A_145 = arith.constant 0 : i32
      %dma_start3A_146 = tpu.memref_slice %arg18[%add3A_85, %dma_start3A_145] : memref<10000x128xf32, #tpu.memory_space<vmem_shared>> -> memref<48x128xf32, #tpu.memory_space<vmem_shared>>
      %dma_start3A_147 = arith.constant 0 : i32
      %dma_start3A_148 = tpu.memref_slice %arg18[%add3A_85, %dma_start3A_147] : memref<10000x128xf32, #tpu.memory_space<vmem_shared>> -> memref<48x128xf32, #tpu.memory_space<vmem_shared>>
      tpu.enqueue_dma source(%arg17 : memref<48x128xf32, #tpu.memory_space<vmem>>) target(%dma_start3A_148 : memref<48x128xf32, #tpu.memory_space<vmem_shared>>) target_semaphore(%run_scoped3A : memref<!tpu.dma_semaphore, #tpu.memory_space<semaphore_mem>>)
      %dma_wait3A_149 = arith.constant 0 : i32
      %dma_wait3A_150 = tpu.memref_slice %arg18[%add3A_85, %dma_wait3A_149] : memref<10000x128xf32, #tpu.memory_space<vmem_shared>> -> memref<48x128xf32, #tpu.memory_space<vmem_shared>>
      %dma_wait3A_151 = arith.constant 0 : i32
      %dma_wait3A_152 = tpu.memref_slice %arg18[%add3A_85, %dma_wait3A_151] : memref<10000x128xf32, #tpu.memory_space<vmem_shared>> -> memref<48x128xf32, #tpu.memory_space<vmem_shared>>
      tpu.wait_dma2 semaphore(%run_scoped3A : memref<!tpu.dma_semaphore, #tpu.memory_space<semaphore_mem>>) src(%arg17 : memref<48x128xf32, #tpu.memory_space<vmem>>) dst(%dma_wait3A_152 : memref<48x128xf32, #tpu.memory_space<vmem_shared>>)
      tpu.yield
    }) : () -> ()
    %mul3A_86 = arith.constant 624 : i32
    %mul3A_87 = arith.muli %arg1, %mul3A_86 : i32
    %add3A_88 = arith.constant 288 : i32
    %add3A_89 = arith.addi %mul3A_87, %add3A_88 : i32
    "tpu.region"() ({
      %run_scoped3A = tpu.sem_alloc : memref<!tpu.dma_semaphore, #tpu.memory_space<semaphore_mem>>
      %dma_start3A_145 = arith.constant 0 : i32
      %dma_start3A_146 = tpu.memref_slice %arg18[%add3A_89, %dma_start3A_145] : memref<10000x128xf32, #tpu.memory_space<vmem_shared>> -> memref<48x128xf32, #tpu.memory_space<vmem_shared>>
      %dma_start3A_147 = arith.constant 0 : i32
      %dma_start3A_148 = tpu.memref_slice %arg18[%add3A_89, %dma_start3A_147] : memref<10000x128xf32, #tpu.memory_space<vmem_shared>> -> memref<48x128xf32, #tpu.memory_space<vmem_shared>>
      tpu.enqueue_dma source(%arg17 : memref<48x128xf32, #tpu.memory_space<vmem>>) target(%dma_start3A_148 : memref<48x128xf32, #tpu.memory_space<vmem_shared>>) target_semaphore(%run_scoped3A : memref<!tpu.dma_semaphore, #tpu.memory_space<semaphore_mem>>)
      %dma_wait3A_149 = arith.constant 0 : i32
      %dma_wait3A_150 = tpu.memref_slice %arg18[%add3A_89, %dma_wait3A_149] : memref<10000x128xf32, #tpu.memory_space<vmem_shared>> -> memref<48x128xf32, #tpu.memory_space<vmem_shared>>
      %dma_wait3A_151 = arith.constant 0 : i32
      %dma_wait3A_152 = tpu.memref_slice %arg18[%add3A_89, %dma_wait3A_151] : memref<10000x128xf32, #tpu.memory_space<vmem_shared>> -> memref<48x128xf32, #tpu.memory_space<vmem_shared>>
      tpu.wait_dma2 semaphore(%run_scoped3A : memref<!tpu.dma_semaphore, #tpu.memory_space<semaphore_mem>>) src(%arg17 : memref<48x128xf32, #tpu.memory_space<vmem>>) dst(%dma_wait3A_152 : memref<48x128xf32, #tpu.memory_space<vmem_shared>>)
      tpu.yield
    }) : () -> ()
    %mul3A_90 = arith.constant 624 : i32
    %mul3A_91 = arith.muli %arg1, %mul3A_90 : i32
    %add3A_92 = arith.constant 336 : i32
    %add3A_93 = arith.addi %mul3A_91, %add3A_92 : i32
    "tpu.region"() ({
      %run_scoped3A = tpu.sem_alloc : memref<!tpu.dma_semaphore, #tpu.memory_space<semaphore_mem>>
      %dma_start3A_145 = arith.constant 0 : i32
      %dma_start3A_146 = tpu.memref_slice %arg18[%add3A_93, %dma_start3A_145] : memref<10000x128xf32, #tpu.memory_space<vmem_shared>> -> memref<48x128xf32, #tpu.memory_space<vmem_shared>>
      %dma_start3A_147 = arith.constant 0 : i32
      %dma_start3A_148 = tpu.memref_slice %arg18[%add3A_93, %dma_start3A_147] : memref<10000x128xf32, #tpu.memory_space<vmem_shared>> -> memref<48x128xf32, #tpu.memory_space<vmem_shared>>
      tpu.enqueue_dma source(%arg17 : memref<48x128xf32, #tpu.memory_space<vmem>>) target(%dma_start3A_148 : memref<48x128xf32, #tpu.memory_space<vmem_shared>>) target_semaphore(%run_scoped3A : memref<!tpu.dma_semaphore, #tpu.memory_space<semaphore_mem>>)
      %dma_wait3A_149 = arith.constant 0 : i32
      %dma_wait3A_150 = tpu.memref_slice %arg18[%add3A_93, %dma_wait3A_149] : memref<10000x128xf32, #tpu.memory_space<vmem_shared>> -> memref<48x128xf32, #tpu.memory_space<vmem_shared>>
      %dma_wait3A_151 = arith.constant 0 : i32
      %dma_wait3A_152 = tpu.memref_slice %arg18[%add3A_93, %dma_wait3A_151] : memref<10000x128xf32, #tpu.memory_space<vmem_shared>> -> memref<48x128xf32, #tpu.memory_space<vmem_shared>>
      tpu.wait_dma2 semaphore(%run_scoped3A : memref<!tpu.dma_semaphore, #tpu.memory_space<semaphore_mem>>) src(%arg17 : memref<48x128xf32, #tpu.memory_space<vmem>>) dst(%dma_wait3A_152 : memref<48x128xf32, #tpu.memory_space<vmem_shared>>)
      tpu.yield
    }) : () -> ()
    %mul3A_94 = arith.constant 624 : i32
    %mul3A_95 = arith.muli %arg1, %mul3A_94 : i32
    %add3A_96 = arith.constant 384 : i32
    %add3A_97 = arith.addi %mul3A_95, %add3A_96 : i32
    "tpu.region"() ({
      %run_scoped3A = tpu.sem_alloc : memref<!tpu.dma_semaphore, #tpu.memory_space<semaphore_mem>>
      %dma_start3A_145 = arith.constant 0 : i32
      %dma_start3A_146 = tpu.memref_slice %arg18[%add3A_97, %dma_start3A_145] : memref<10000x128xf32, #tpu.memory_space<vmem_shared>> -> memref<48x128xf32, #tpu.memory_space<vmem_shared>>
      %dma_start3A_147 = arith.constant 0 : i32
      %dma_start3A_148 = tpu.memref_slice %arg18[%add3A_97, %dma_start3A_147] : memref<10000x128xf32, #tpu.memory_space<vmem_shared>> -> memref<48x128xf32, #tpu.memory_space<vmem_shared>>
      tpu.enqueue_dma source(%arg17 : memref<48x128xf32, #tpu.memory_space<vmem>>) target(%dma_start3A_148 : memref<48x128xf32, #tpu.memory_space<vmem_shared>>) target_semaphore(%run_scoped3A : memref<!tpu.dma_semaphore, #tpu.memory_space<semaphore_mem>>)
      %dma_wait3A_149 = arith.constant 0 : i32
      %dma_wait3A_150 = tpu.memref_slice %arg18[%add3A_97, %dma_wait3A_149] : memref<10000x128xf32, #tpu.memory_space<vmem_shared>> -> memref<48x128xf32, #tpu.memory_space<vmem_shared>>
      %dma_wait3A_151 = arith.constant 0 : i32
      %dma_wait3A_152 = tpu.memref_slice %arg18[%add3A_97, %dma_wait3A_151] : memref<10000x128xf32, #tpu.memory_space<vmem_shared>> -> memref<48x128xf32, #tpu.memory_space<vmem_shared>>
      tpu.wait_dma2 semaphore(%run_scoped3A : memref<!tpu.dma_semaphore, #tpu.memory_space<semaphore_mem>>) src(%arg17 : memref<48x128xf32, #tpu.memory_space<vmem>>) dst(%dma_wait3A_152 : memref<48x128xf32, #tpu.memory_space<vmem_shared>>)
      tpu.yield
    }) : () -> ()
    %mul3A_98 = arith.constant 624 : i32
    %mul3A_99 = arith.muli %arg1, %mul3A_98 : i32
    %add3A_100 = arith.constant 432 : i32
    %add3A_101 = arith.addi %mul3A_99, %add3A_100 : i32
    "tpu.region"() ({
      %run_scoped3A = tpu.sem_alloc : memref<!tpu.dma_semaphore, #tpu.memory_space<semaphore_mem>>
      %dma_start3A_145 = arith.constant 0 : i32
      %dma_start3A_146 = tpu.memref_slice %arg18[%add3A_101, %dma_start3A_145] : memref<10000x128xf32, #tpu.memory_space<vmem_shared>> -> memref<48x128xf32, #tpu.memory_space<vmem_shared>>
      %dma_start3A_147 = arith.constant 0 : i32
      %dma_start3A_148 = tpu.memref_slice %arg18[%add3A_101, %dma_start3A_147] : memref<10000x128xf32, #tpu.memory_space<vmem_shared>> -> memref<48x128xf32, #tpu.memory_space<vmem_shared>>
      tpu.enqueue_dma source(%arg17 : memref<48x128xf32, #tpu.memory_space<vmem>>) target(%dma_start3A_148 : memref<48x128xf32, #tpu.memory_space<vmem_shared>>) target_semaphore(%run_scoped3A : memref<!tpu.dma_semaphore, #tpu.memory_space<semaphore_mem>>)
      %dma_wait3A_149 = arith.constant 0 : i32
      %dma_wait3A_150 = tpu.memref_slice %arg18[%add3A_101, %dma_wait3A_149] : memref<10000x128xf32, #tpu.memory_space<vmem_shared>> -> memref<48x128xf32, #tpu.memory_space<vmem_shared>>
      %dma_wait3A_151 = arith.constant 0 : i32
      %dma_wait3A_152 = tpu.memref_slice %arg18[%add3A_101, %dma_wait3A_151] : memref<10000x128xf32, #tpu.memory_space<vmem_shared>> -> memref<48x128xf32, #tpu.memory_space<vmem_shared>>
      tpu.wait_dma2 semaphore(%run_scoped3A : memref<!tpu.dma_semaphore, #tpu.memory_space<semaphore_mem>>) src(%arg17 : memref<48x128xf32, #tpu.memory_space<vmem>>) dst(%dma_wait3A_152 : memref<48x128xf32, #tpu.memory_space<vmem_shared>>)
      tpu.yield
    }) : () -> ()
    %mul3A_102 = arith.constant 624 : i32
    %mul3A_103 = arith.muli %arg1, %mul3A_102 : i32
    %add3A_104 = arith.constant 480 : i32
    %add3A_105 = arith.addi %mul3A_103, %add3A_104 : i32
    "tpu.region"() ({
      %run_scoped3A = tpu.sem_alloc : memref<!tpu.dma_semaphore, #tpu.memory_space<semaphore_mem>>
      %dma_start3A_145 = arith.constant 0 : i32
      %dma_start3A_146 = tpu.memref_slice %arg18[%add3A_105, %dma_start3A_145] : memref<10000x128xf32, #tpu.memory_space<vmem_shared>> -> memref<48x128xf32, #tpu.memory_space<vmem_shared>>
      %dma_start3A_147 = arith.constant 0 : i32
      %dma_start3A_148 = tpu.memref_slice %arg18[%add3A_105, %dma_start3A_147] : memref<10000x128xf32, #tpu.memory_space<vmem_shared>> -> memref<48x128xf32, #tpu.memory_space<vmem_shared>>
      tpu.enqueue_dma source(%arg17 : memref<48x128xf32, #tpu.memory_space<vmem>>) target(%dma_start3A_148 : memref<48x128xf32, #tpu.memory_space<vmem_shared>>) target_semaphore(%run_scoped3A : memref<!tpu.dma_semaphore, #tpu.memory_space<semaphore_mem>>)
      %dma_wait3A_149 = arith.constant 0 : i32
      %dma_wait3A_150 = tpu.memref_slice %arg18[%add3A_105, %dma_wait3A_149] : memref<10000x128xf32, #tpu.memory_space<vmem_shared>> -> memref<48x128xf32, #tpu.memory_space<vmem_shared>>
      %dma_wait3A_151 = arith.constant 0 : i32
      %dma_wait3A_152 = tpu.memref_slice %arg18[%add3A_105, %dma_wait3A_151] : memref<10000x128xf32, #tpu.memory_space<vmem_shared>> -> memref<48x128xf32, #tpu.memory_space<vmem_shared>>
      tpu.wait_dma2 semaphore(%run_scoped3A : memref<!tpu.dma_semaphore, #tpu.memory_space<semaphore_mem>>) src(%arg17 : memref<48x128xf32, #tpu.memory_space<vmem>>) dst(%dma_wait3A_152 : memref<48x128xf32, #tpu.memory_space<vmem_shared>>)
      tpu.yield
    }) : () -> ()
    %mul3A_106 = arith.constant 624 : i32
    %mul3A_107 = arith.muli %arg1, %mul3A_106 : i32
    %add3A_108 = arith.constant 528 : i32
    %add3A_109 = arith.addi %mul3A_107, %add3A_108 : i32
    "tpu.region"() ({
      %run_scoped3A = tpu.sem_alloc : memref<!tpu.dma_semaphore, #tpu.memory_space<semaphore_mem>>
      %dma_start3A_145 = arith.constant 0 : i32
      %dma_start3A_146 = tpu.memref_slice %arg18[%add3A_109, %dma_start3A_145] : memref<10000x128xf32, #tpu.memory_space<vmem_shared>> -> memref<48x128xf32, #tpu.memory_space<vmem_shared>>
      %dma_start3A_147 = arith.constant 0 : i32
      %dma_start3A_148 = tpu.memref_slice %arg18[%add3A_109, %dma_start3A_147] : memref<10000x128xf32, #tpu.memory_space<vmem_shared>> -> memref<48x128xf32, #tpu.memory_space<vmem_shared>>
      tpu.enqueue_dma source(%arg17 : memref<48x128xf32, #tpu.memory_space<vmem>>) target(%dma_start3A_148 : memref<48x128xf32, #tpu.memory_space<vmem_shared>>) target_semaphore(%run_scoped3A : memref<!tpu.dma_semaphore, #tpu.memory_space<semaphore_mem>>)
      %dma_wait3A_149 = arith.constant 0 : i32
      %dma_wait3A_150 = tpu.memref_slice %arg18[%add3A_109, %dma_wait3A_149] : memref<10000x128xf32, #tpu.memory_space<vmem_shared>> -> memref<48x128xf32, #tpu.memory_space<vmem_shared>>
      %dma_wait3A_151 = arith.constant 0 : i32
      %dma_wait3A_152 = tpu.memref_slice %arg18[%add3A_109, %dma_wait3A_151] : memref<10000x128xf32, #tpu.memory_space<vmem_shared>> -> memref<48x128xf32, #tpu.memory_space<vmem_shared>>
      tpu.wait_dma2 semaphore(%run_scoped3A : memref<!tpu.dma_semaphore, #tpu.memory_space<semaphore_mem>>) src(%arg17 : memref<48x128xf32, #tpu.memory_space<vmem>>) dst(%dma_wait3A_152 : memref<48x128xf32, #tpu.memory_space<vmem_shared>>)
      tpu.yield
    }) : () -> ()
    %mul3A_110 = arith.constant 624 : i32
    %mul3A_111 = arith.muli %arg1, %mul3A_110 : i32
    %add3A_112 = arith.constant 576 : i32
    %add3A_113 = arith.addi %mul3A_111, %add3A_112 : i32
    "tpu.region"() ({
      %run_scoped3A = tpu.sem_alloc : memref<!tpu.dma_semaphore, #tpu.memory_space<semaphore_mem>>
      %dma_start3A_145 = arith.constant 0 : i32
      %dma_start3A_146 = tpu.memref_slice %arg18[%add3A_113, %dma_start3A_145] : memref<10000x128xf32, #tpu.memory_space<vmem_shared>> -> memref<48x128xf32, #tpu.memory_space<vmem_shared>>
      %dma_start3A_147 = arith.constant 0 : i32
      %dma_start3A_148 = tpu.memref_slice %arg18[%add3A_113, %dma_start3A_147] : memref<10000x128xf32, #tpu.memory_space<vmem_shared>> -> memref<48x128xf32, #tpu.memory_space<vmem_shared>>
      tpu.enqueue_dma source(%arg17 : memref<48x128xf32, #tpu.memory_space<vmem>>) target(%dma_start3A_148 : memref<48x128xf32, #tpu.memory_space<vmem_shared>>) target_semaphore(%run_scoped3A : memref<!tpu.dma_semaphore, #tpu.memory_space<semaphore_mem>>)
      %dma_wait3A_149 = arith.constant 0 : i32
      %dma_wait3A_150 = tpu.memref_slice %arg18[%add3A_113, %dma_wait3A_149] : memref<10000x128xf32, #tpu.memory_space<vmem_shared>> -> memref<48x128xf32, #tpu.memory_space<vmem_shared>>
      %dma_wait3A_151 = arith.constant 0 : i32
      %dma_wait3A_152 = tpu.memref_slice %arg18[%add3A_113, %dma_wait3A_151] : memref<10000x128xf32, #tpu.memory_space<vmem_shared>> -> memref<48x128xf32, #tpu.memory_space<vmem_shared>>
      tpu.wait_dma2 semaphore(%run_scoped3A : memref<!tpu.dma_semaphore, #tpu.memory_space<semaphore_mem>>) src(%arg17 : memref<48x128xf32, #tpu.memory_space<vmem>>) dst(%dma_wait3A_152 : memref<48x128xf32, #tpu.memory_space<vmem_shared>>)
      tpu.yield
    }) : () -> ()
    %eq3A = arith.constant 0 : i32
    %eq3A_114 = arith.cmpi eq, %arg1, %eq3A : i32
    %convert_element_type3A = arith.extui %eq3A_114 : i1 to i32
    %cond3A = arith.constant 0 : i32
    %cond3A_115 = arith.cmpi ne, %convert_element_type3A, %cond3A : i32
    scf.if %cond3A_115 {
      "tpu.region"() ({
        %run_scoped3A = tpu.sem_alloc : memref<!tpu.dma_semaphore, #tpu.memory_space<semaphore_mem>>
        %dma_start3A_145 = arith.constant 0 : i32
        %dma_start3A_146 = arith.constant 0 : i32
        %dma_start3A_147 = tpu.memref_slice %arg17[%dma_start3A_145, %dma_start3A_146] : memref<48x128xf32, #tpu.memory_space<vmem>> -> memref<16x128xf32, #tpu.memory_space<vmem>>
        %dma_start3A_148 = arith.constant 9984 : i32
        %dma_start3A_149 = arith.constant 0 : i32
        %dma_start3A_150 = tpu.memref_slice %arg18[%dma_start3A_148, %dma_start3A_149] : memref<10000x128xf32, #tpu.memory_space<vmem_shared>> -> memref<16x128xf32, #tpu.memory_space<vmem_shared>>
        %dma_start3A_151 = arith.constant 9984 : i32
        %dma_start3A_152 = arith.constant 0 : i32
        %dma_start3A_153 = tpu.memref_slice %arg18[%dma_start3A_151, %dma_start3A_152] : memref<10000x128xf32, #tpu.memory_space<vmem_shared>> -> memref<16x128xf32, #tpu.memory_space<vmem_shared>>
        %dma_start3A_154 = arith.constant 0 : i32
        %dma_start3A_155 = arith.constant 0 : i32
        %dma_start3A_156 = tpu.memref_slice %arg17[%dma_start3A_154, %dma_start3A_155] : memref<48x128xf32, #tpu.memory_space<vmem>> -> memref<16x128xf32, #tpu.memory_space<vmem>>
        tpu.enqueue_dma source(%dma_start3A_156 : memref<16x128xf32, #tpu.memory_space<vmem>>) target(%dma_start3A_153 : memref<16x128xf32, #tpu.memory_space<vmem_shared>>) target_semaphore(%run_scoped3A : memref<!tpu.dma_semaphore, #tpu.memory_space<semaphore_mem>>)
        %dma_wait3A_157 = arith.constant 0 : i32
        %dma_wait3A_158 = arith.constant 0 : i32
        %dma_wait3A_159 = tpu.memref_slice %arg17[%dma_wait3A_157, %dma_wait3A_158] : memref<48x128xf32, #tpu.memory_space<vmem>> -> memref<16x128xf32, #tpu.memory_space<vmem>>
        %dma_wait3A_160 = arith.constant 9984 : i32
        %dma_wait3A_161 = arith.constant 0 : i32
        %dma_wait3A_162 = tpu.memref_slice %arg18[%dma_wait3A_160, %dma_wait3A_161] : memref<10000x128xf32, #tpu.memory_space<vmem_shared>> -> memref<16x128xf32, #tpu.memory_space<vmem_shared>>
        %dma_wait3A_163 = arith.constant 9984 : i32
        %dma_wait3A_164 = arith.constant 0 : i32
        %dma_wait3A_165 = tpu.memref_slice %arg18[%dma_wait3A_163, %dma_wait3A_164] : memref<10000x128xf32, #tpu.memory_space<vmem_shared>> -> memref<16x128xf32, #tpu.memory_space<vmem_shared>>
        %dma_wait3A_166 = arith.constant 0 : i32
        %dma_wait3A_167 = arith.constant 0 : i32
        %dma_wait3A_168 = tpu.memref_slice %arg17[%dma_wait3A_166, %dma_wait3A_167] : memref<48x128xf32, #tpu.memory_space<vmem>> -> memref<16x128xf32, #tpu.memory_space<vmem>>
        tpu.wait_dma2 semaphore(%run_scoped3A : memref<!tpu.dma_semaphore, #tpu.memory_space<semaphore_mem>>) src(%dma_wait3A_168 : memref<16x128xf32, #tpu.memory_space<vmem>>) dst(%dma_wait3A_165 : memref<16x128xf32, #tpu.memory_space<vmem_shared>>)
        tpu.yield
      }) : () -> ()
    } else {
    }
    %barrier3A = arith.constant 0 : index
    tpu.barrier barrier_id(%barrier3A)
    %scan3A_116 = arith.constant 0 : i32
    %scan3A_117 = arith.constant 0 : i32
    %scan3A_118 = arith.constant 31 : i32
    %scan3A_119 = arith.addi %scan3A_117, %scan3A_118 : i32
    %scan3A_120 = arith.constant 1 : i32
    scf.for %scan3A_145 = %scan3A_117 to %scan3A_119 step %scan3A_120  : i32 {
      %mul3A_146 = arith.constant 4 : i32
      %mul3A_147 = arith.muli %scan3A_145, %mul3A_146 : i32
      %add3A_148 = arith.constant 0 : i32
      %add3A_149 = arith.addi %mul3A_147, %add3A_148 : i32
      %mul3A_150 = arith.constant 10000 : i32
      %mul3A_151 = arith.muli %add3A, %mul3A_150 : i32
      %mul3A_152 = arith.constant 80 : i32
      %mul3A_153 = arith.muli %add3A_149, %mul3A_152 : i32
      %add3A_154 = arith.addi %mul3A_151, %mul3A_153 : i32
      %dma_wait3A_155 = tpu.memref_slice %arg3[%add3A_154] : memref<320000xi32, #tpu.memory_space<hbm>> -> memref<80xi32, #tpu.memory_space<hbm>>
      %dma_wait3A_156 = tpu.memref_slice %arg3[%add3A_154] : memref<320000xi32, #tpu.memory_space<hbm>> -> memref<80xi32, #tpu.memory_space<hbm>>
      tpu.wait_dma2 semaphore(%arg13 : memref<!tpu.dma_semaphore, #tpu.memory_space<semaphore_mem>>) src(%dma_wait3A_156 : memref<80xi32, #tpu.memory_space<hbm>>) dst(%arg5 : memref<80xi32, #tpu.memory_space<vmem>>)
      %mul3A_157 = arith.constant 10000 : i32
      %mul3A_158 = arith.muli %add3A, %mul3A_157 : i32
      %mul3A_159 = arith.constant 80 : i32
      %mul3A_160 = arith.muli %add3A_149, %mul3A_159 : i32
      %add3A_161 = arith.addi %mul3A_158, %mul3A_160 : i32
      %dma_wait3A_162 = arith.constant 0 : i32
      %dma_wait3A_163 = tpu.memref_slice %arg2[%add3A_161, %dma_wait3A_162] : memref<320000x128xf32, #tpu.memory_space<hbm>> -> memref<80x128xf32, #tpu.memory_space<hbm>>
      %dma_wait3A_164 = arith.constant 0 : i32
      %dma_wait3A_165 = tpu.memref_slice %arg2[%add3A_161, %dma_wait3A_164] : memref<320000x128xf32, #tpu.memory_space<hbm>> -> memref<80x128xf32, #tpu.memory_space<hbm>>
      tpu.wait_dma2 semaphore(%arg13 : memref<!tpu.dma_semaphore, #tpu.memory_space<semaphore_mem>>) src(%dma_wait3A_165 : memref<80x128xf32, #tpu.memory_space<hbm>>) dst(%arg9 : memref<80x128xf32, #tpu.memory_space<vmem>>)
      "tpu.region"() ({
        %run_scoped3A = tpu.sem_alloc : memref<!tpu.dma_semaphore, #tpu.memory_space<semaphore_mem>>
        %dma_start3A_247 = arith.constant 0 : i32
        %dma_start3A_248 = arith.constant 0 : i32
        %dma_start3A_249 = tpu.memref_slice %arg18[%dma_start3A_247, %dma_start3A_248] : memref<10000x128xf32, #tpu.memory_space<vmem_shared>> -> memref<10000x128xf32, #tpu.memory_space<vmem_shared>>
        tpu.enqueue_indirect_dma source(%arg9 : memref<80x128xf32, #tpu.memory_space<vmem>>) target(%dma_start3A_249 : memref<10000x128xf32, #tpu.memory_space<vmem_shared>>) offsets(%arg5 : memref<80xi32, #tpu.memory_space<vmem>>) semaphore(%run_scoped3A : memref<!tpu.dma_semaphore, #tpu.memory_space<semaphore_mem>>) {add = true}
        %dma_wait3A_250 = arith.constant 0 : i32
        %dma_wait3A_251 = arith.constant 0 : i32
        %dma_wait3A_252 = tpu.memref_slice %arg18[%dma_wait3A_250, %dma_wait3A_251] : memref<10000x128xf32, #tpu.memory_space<vmem_shared>> -> memref<10000x128xf32, #tpu.memory_space<vmem_shared>>
        tpu.wait_indirect_dma semaphore(%run_scoped3A : memref<!tpu.dma_semaphore, #tpu.memory_space<semaphore_mem>>) src(%arg9 : memref<80x128xf32, #tpu.memory_space<vmem>>) dst(%dma_wait3A_252 : memref<10000x128xf32, #tpu.memory_space<vmem_shared>>)
        tpu.yield
      }) : () -> ()
      %add3A_166 = arith.constant 4 : i32
      %add3A_167 = arith.addi %add3A_149, %add3A_166 : i32
      %lt3A = arith.constant 125 : i32
      %lt3A_168 = arith.cmpi slt, %add3A_167, %lt3A : i32
      %convert_element_type3A_169 = arith.extui %lt3A_168 : i1 to i32
      %cond3A_170 = arith.constant 0 : i32
      %cond3A_171 = arith.cmpi ne, %convert_element_type3A_169, %cond3A_170 : i32
      scf.if %cond3A_171 {
        %add3A_247 = arith.constant 4 : i32
        %add3A_248 = arith.addi %add3A_149, %add3A_247 : i32
        %mul3A_249 = arith.constant 10000 : i32
        %mul3A_250 = arith.muli %add3A, %mul3A_249 : i32
        %mul3A_251 = arith.constant 80 : i32
        %mul3A_252 = arith.muli %add3A_248, %mul3A_251 : i32
        %add3A_253 = arith.addi %mul3A_250, %mul3A_252 : i32
        %dma_start3A_254 = tpu.memref_slice %arg3[%add3A_253] : memref<320000xi32, #tpu.memory_space<hbm>> -> memref<80xi32, #tpu.memory_space<hbm>>
        %dma_start3A_255 = tpu.memref_slice %arg3[%add3A_253] : memref<320000xi32, #tpu.memory_space<hbm>> -> memref<80xi32, #tpu.memory_space<hbm>>
        tpu.enqueue_dma source(%dma_start3A_255 : memref<80xi32, #tpu.memory_space<hbm>>) target(%arg5 : memref<80xi32, #tpu.memory_space<vmem>>) target_semaphore(%arg13 : memref<!tpu.dma_semaphore, #tpu.memory_space<semaphore_mem>>)
        %mul3A_256 = arith.constant 10000 : i32
        %mul3A_257 = arith.muli %add3A, %mul3A_256 : i32
        %mul3A_258 = arith.constant 80 : i32
        %mul3A_259 = arith.muli %add3A_248, %mul3A_258 : i32
        %add3A_260 = arith.addi %mul3A_257, %mul3A_259 : i32
        %dma_start3A_261 = arith.constant 0 : i32
        %dma_start3A_262 = tpu.memref_slice %arg2[%add3A_260, %dma_start3A_261] : memref<320000x128xf32, #tpu.memory_space<hbm>> -> memref<80x128xf32, #tpu.memory_space<hbm>>
        %dma_start3A_263 = arith.constant 0 : i32
        %dma_start3A_264 = tpu.memref_slice %arg2[%add3A_260, %dma_start3A_263] : memref<320000x128xf32, #tpu.memory_space<hbm>> -> memref<80x128xf32, #tpu.memory_space<hbm>>
        tpu.enqueue_dma source(%dma_start3A_264 : memref<80x128xf32, #tpu.memory_space<hbm>>) target(%arg9 : memref<80x128xf32, #tpu.memory_space<vmem>>) target_semaphore(%arg13 : memref<!tpu.dma_semaphore, #tpu.memory_space<semaphore_mem>>)
      } else {
      }
      %add3A_172 = arith.constant 1 : i32
      %add3A_173 = arith.addi %mul3A_147, %add3A_172 : i32
      %mul3A_174 = arith.constant 10000 : i32
      %mul3A_175 = arith.muli %add3A, %mul3A_174 : i32
      %mul3A_176 = arith.constant 80 : i32
      %mul3A_177 = arith.muli %add3A_173, %mul3A_176 : i32
      %add3A_178 = arith.addi %mul3A_175, %mul3A_177 : i32
      %dma_wait3A_179 = tpu.memref_slice %arg3[%add3A_178] : memref<320000xi32, #tpu.memory_space<hbm>> -> memref<80xi32, #tpu.memory_space<hbm>>
      %dma_wait3A_180 = tpu.memref_slice %arg3[%add3A_178] : memref<320000xi32, #tpu.memory_space<hbm>> -> memref<80xi32, #tpu.memory_space<hbm>>
      tpu.wait_dma2 semaphore(%arg14 : memref<!tpu.dma_semaphore, #tpu.memory_space<semaphore_mem>>) src(%dma_wait3A_180 : memref<80xi32, #tpu.memory_space<hbm>>) dst(%arg6 : memref<80xi32, #tpu.memory_space<vmem>>)
      %mul3A_181 = arith.constant 10000 : i32
      %mul3A_182 = arith.muli %add3A, %mul3A_181 : i32
      %mul3A_183 = arith.constant 80 : i32
      %mul3A_184 = arith.muli %add3A_173, %mul3A_183 : i32
      %add3A_185 = arith.addi %mul3A_182, %mul3A_184 : i32
      %dma_wait3A_186 = arith.constant 0 : i32
      %dma_wait3A_187 = tpu.memref_slice %arg2[%add3A_185, %dma_wait3A_186] : memref<320000x128xf32, #tpu.memory_space<hbm>> -> memref<80x128xf32, #tpu.memory_space<hbm>>
      %dma_wait3A_188 = arith.constant 0 : i32
      %dma_wait3A_189 = tpu.memref_slice %arg2[%add3A_185, %dma_wait3A_188] : memref<320000x128xf32, #tpu.memory_space<hbm>> -> memref<80x128xf32, #tpu.memory_space<hbm>>
      tpu.wait_dma2 semaphore(%arg14 : memref<!tpu.dma_semaphore, #tpu.memory_space<semaphore_mem>>) src(%dma_wait3A_189 : memref<80x128xf32, #tpu.memory_space<hbm>>) dst(%arg10 : memref<80x128xf32, #tpu.memory_space<vmem>>)
      "tpu.region"() ({
        %run_scoped3A = tpu.sem_alloc : memref<!tpu.dma_semaphore, #tpu.memory_space<semaphore_mem>>
        %dma_start3A_247 = arith.constant 0 : i32
        %dma_start3A_248 = arith.constant 0 : i32
        %dma_start3A_249 = tpu.memref_slice %arg18[%dma_start3A_247, %dma_start3A_248] : memref<10000x128xf32, #tpu.memory_space<vmem_shared>> -> memref<10000x128xf32, #tpu.memory_space<vmem_shared>>
        tpu.enqueue_indirect_dma source(%arg10 : memref<80x128xf32, #tpu.memory_space<vmem>>) target(%dma_start3A_249 : memref<10000x128xf32, #tpu.memory_space<vmem_shared>>) offsets(%arg6 : memref<80xi32, #tpu.memory_space<vmem>>) semaphore(%run_scoped3A : memref<!tpu.dma_semaphore, #tpu.memory_space<semaphore_mem>>) {add = true}
        %dma_wait3A_250 = arith.constant 0 : i32
        %dma_wait3A_251 = arith.constant 0 : i32
        %dma_wait3A_252 = tpu.memref_slice %arg18[%dma_wait3A_250, %dma_wait3A_251] : memref<10000x128xf32, #tpu.memory_space<vmem_shared>> -> memref<10000x128xf32, #tpu.memory_space<vmem_shared>>
        tpu.wait_indirect_dma semaphore(%run_scoped3A : memref<!tpu.dma_semaphore, #tpu.memory_space<semaphore_mem>>) src(%arg10 : memref<80x128xf32, #tpu.memory_space<vmem>>) dst(%dma_wait3A_252 : memref<10000x128xf32, #tpu.memory_space<vmem_shared>>)
        tpu.yield
      }) : () -> ()
      %add3A_190 = arith.constant 4 : i32
      %add3A_191 = arith.addi %add3A_173, %add3A_190 : i32
      %lt3A_192 = arith.constant 125 : i32
      %lt3A_193 = arith.cmpi slt, %add3A_191, %lt3A_192 : i32
      %convert_element_type3A_194 = arith.extui %lt3A_193 : i1 to i32
      %cond3A_195 = arith.constant 0 : i32
      %cond3A_196 = arith.cmpi ne, %convert_element_type3A_194, %cond3A_195 : i32
      scf.if %cond3A_196 {
        %add3A_247 = arith.constant 4 : i32
        %add3A_248 = arith.addi %add3A_173, %add3A_247 : i32
        %mul3A_249 = arith.constant 10000 : i32
        %mul3A_250 = arith.muli %add3A, %mul3A_249 : i32
        %mul3A_251 = arith.constant 80 : i32
        %mul3A_252 = arith.muli %add3A_248, %mul3A_251 : i32
        %add3A_253 = arith.addi %mul3A_250, %mul3A_252 : i32
        %dma_start3A_254 = tpu.memref_slice %arg3[%add3A_253] : memref<320000xi32, #tpu.memory_space<hbm>> -> memref<80xi32, #tpu.memory_space<hbm>>
        %dma_start3A_255 = tpu.memref_slice %arg3[%add3A_253] : memref<320000xi32, #tpu.memory_space<hbm>> -> memref<80xi32, #tpu.memory_space<hbm>>
        tpu.enqueue_dma source(%dma_start3A_255 : memref<80xi32, #tpu.memory_space<hbm>>) target(%arg6 : memref<80xi32, #tpu.memory_space<vmem>>) target_semaphore(%arg14 : memref<!tpu.dma_semaphore, #tpu.memory_space<semaphore_mem>>)
        %mul3A_256 = arith.constant 10000 : i32
        %mul3A_257 = arith.muli %add3A, %mul3A_256 : i32
        %mul3A_258 = arith.constant 80 : i32
        %mul3A_259 = arith.muli %add3A_248, %mul3A_258 : i32
        %add3A_260 = arith.addi %mul3A_257, %mul3A_259 : i32
        %dma_start3A_261 = arith.constant 0 : i32
        %dma_start3A_262 = tpu.memref_slice %arg2[%add3A_260, %dma_start3A_261] : memref<320000x128xf32, #tpu.memory_space<hbm>> -> memref<80x128xf32, #tpu.memory_space<hbm>>
        %dma_start3A_263 = arith.constant 0 : i32
        %dma_start3A_264 = tpu.memref_slice %arg2[%add3A_260, %dma_start3A_263] : memref<320000x128xf32, #tpu.memory_space<hbm>> -> memref<80x128xf32, #tpu.memory_space<hbm>>
        tpu.enqueue_dma source(%dma_start3A_264 : memref<80x128xf32, #tpu.memory_space<hbm>>) target(%arg10 : memref<80x128xf32, #tpu.memory_space<vmem>>) target_semaphore(%arg14 : memref<!tpu.dma_semaphore, #tpu.memory_space<semaphore_mem>>)
      } else {
      }
      %add3A_197 = arith.constant 2 : i32
      %add3A_198 = arith.addi %mul3A_147, %add3A_197 : i32
      %mul3A_199 = arith.constant 10000 : i32
      %mul3A_200 = arith.muli %add3A, %mul3A_199 : i32
      %mul3A_201 = arith.constant 80 : i32
      %mul3A_202 = arith.muli %add3A_198, %mul3A_201 : i32
      %add3A_203 = arith.addi %mul3A_200, %mul3A_202 : i32
      %dma_wait3A_204 = tpu.memref_slice %arg3[%add3A_203] : memref<320000xi32, #tpu.memory_space<hbm>> -> memref<80xi32, #tpu.memory_space<hbm>>
      %dma_wait3A_205 = tpu.memref_slice %arg3[%add3A_203] : memref<320000xi32, #tpu.memory_space<hbm>> -> memref<80xi32, #tpu.memory_space<hbm>>
      tpu.wait_dma2 semaphore(%arg15 : memref<!tpu.dma_semaphore, #tpu.memory_space<semaphore_mem>>) src(%dma_wait3A_205 : memref<80xi32, #tpu.memory_space<hbm>>) dst(%arg7 : memref<80xi32, #tpu.memory_space<vmem>>)
      %mul3A_206 = arith.constant 10000 : i32
      %mul3A_207 = arith.muli %add3A, %mul3A_206 : i32
      %mul3A_208 = arith.constant 80 : i32
      %mul3A_209 = arith.muli %add3A_198, %mul3A_208 : i32
      %add3A_210 = arith.addi %mul3A_207, %mul3A_209 : i32
      %dma_wait3A_211 = arith.constant 0 : i32
      %dma_wait3A_212 = tpu.memref_slice %arg2[%add3A_210, %dma_wait3A_211] : memref<320000x128xf32, #tpu.memory_space<hbm>> -> memref<80x128xf32, #tpu.memory_space<hbm>>
      %dma_wait3A_213 = arith.constant 0 : i32
      %dma_wait3A_214 = tpu.memref_slice %arg2[%add3A_210, %dma_wait3A_213] : memref<320000x128xf32, #tpu.memory_space<hbm>> -> memref<80x128xf32, #tpu.memory_space<hbm>>
      tpu.wait_dma2 semaphore(%arg15 : memref<!tpu.dma_semaphore, #tpu.memory_space<semaphore_mem>>) src(%dma_wait3A_214 : memref<80x128xf32, #tpu.memory_space<hbm>>) dst(%arg11 : memref<80x128xf32, #tpu.memory_space<vmem>>)
      "tpu.region"() ({
        %run_scoped3A = tpu.sem_alloc : memref<!tpu.dma_semaphore, #tpu.memory_space<semaphore_mem>>
        %dma_start3A_247 = arith.constant 0 : i32
        %dma_start3A_248 = arith.constant 0 : i32
        %dma_start3A_249 = tpu.memref_slice %arg18[%dma_start3A_247, %dma_start3A_248] : memref<10000x128xf32, #tpu.memory_space<vmem_shared>> -> memref<10000x128xf32, #tpu.memory_space<vmem_shared>>
        tpu.enqueue_indirect_dma source(%arg11 : memref<80x128xf32, #tpu.memory_space<vmem>>) target(%dma_start3A_249 : memref<10000x128xf32, #tpu.memory_space<vmem_shared>>) offsets(%arg7 : memref<80xi32, #tpu.memory_space<vmem>>) semaphore(%run_scoped3A : memref<!tpu.dma_semaphore, #tpu.memory_space<semaphore_mem>>) {add = true}
        %dma_wait3A_250 = arith.constant 0 : i32
        %dma_wait3A_251 = arith.constant 0 : i32
        %dma_wait3A_252 = tpu.memref_slice %arg18[%dma_wait3A_250, %dma_wait3A_251] : memref<10000x128xf32, #tpu.memory_space<vmem_shared>> -> memref<10000x128xf32, #tpu.memory_space<vmem_shared>>
        tpu.wait_indirect_dma semaphore(%run_scoped3A : memref<!tpu.dma_semaphore, #tpu.memory_space<semaphore_mem>>) src(%arg11 : memref<80x128xf32, #tpu.memory_space<vmem>>) dst(%dma_wait3A_252 : memref<10000x128xf32, #tpu.memory_space<vmem_shared>>)
        tpu.yield
      }) : () -> ()
      %add3A_215 = arith.constant 4 : i32
      %add3A_216 = arith.addi %add3A_198, %add3A_215 : i32
      %lt3A_217 = arith.constant 125 : i32
      %lt3A_218 = arith.cmpi slt, %add3A_216, %lt3A_217 : i32
      %convert_element_type3A_219 = arith.extui %lt3A_218 : i1 to i32
      %cond3A_220 = arith.constant 0 : i32
      %cond3A_221 = arith.cmpi ne, %convert_element_type3A_219, %cond3A_220 : i32
      scf.if %cond3A_221 {
        %add3A_247 = arith.constant 4 : i32
        %add3A_248 = arith.addi %add3A_198, %add3A_247 : i32
        %mul3A_249 = arith.constant 10000 : i32
        %mul3A_250 = arith.muli %add3A, %mul3A_249 : i32
        %mul3A_251 = arith.constant 80 : i32
        %mul3A_252 = arith.muli %add3A_248, %mul3A_251 : i32
        %add3A_253 = arith.addi %mul3A_250, %mul3A_252 : i32
        %dma_start3A_254 = tpu.memref_slice %arg3[%add3A_253] : memref<320000xi32, #tpu.memory_space<hbm>> -> memref<80xi32, #tpu.memory_space<hbm>>
        %dma_start3A_255 = tpu.memref_slice %arg3[%add3A_253] : memref<320000xi32, #tpu.memory_space<hbm>> -> memref<80xi32, #tpu.memory_space<hbm>>
        tpu.enqueue_dma source(%dma_start3A_255 : memref<80xi32, #tpu.memory_space<hbm>>) target(%arg7 : memref<80xi32, #tpu.memory_space<vmem>>) target_semaphore(%arg15 : memref<!tpu.dma_semaphore, #tpu.memory_space<semaphore_mem>>)
        %mul3A_256 = arith.constant 10000 : i32
        %mul3A_257 = arith.muli %add3A, %mul3A_256 : i32
        %mul3A_258 = arith.constant 80 : i32
        %mul3A_259 = arith.muli %add3A_248, %mul3A_258 : i32
        %add3A_260 = arith.addi %mul3A_257, %mul3A_259 : i32
        %dma_start3A_261 = arith.constant 0 : i32
        %dma_start3A_262 = tpu.memref_slice %arg2[%add3A_260, %dma_start3A_261] : memref<320000x128xf32, #tpu.memory_space<hbm>> -> memref<80x128xf32, #tpu.memory_space<hbm>>
        %dma_start3A_263 = arith.constant 0 : i32
        %dma_start3A_264 = tpu.memref_slice %arg2[%add3A_260, %dma_start3A_263] : memref<320000x128xf32, #tpu.memory_space<hbm>> -> memref<80x128xf32, #tpu.memory_space<hbm>>
        tpu.enqueue_dma source(%dma_start3A_264 : memref<80x128xf32, #tpu.memory_space<hbm>>) target(%arg11 : memref<80x128xf32, #tpu.memory_space<vmem>>) target_semaphore(%arg15 : memref<!tpu.dma_semaphore, #tpu.memory_space<semaphore_mem>>)
      } else {
      }
      %add3A_222 = arith.constant 3 : i32
      %add3A_223 = arith.addi %mul3A_147, %add3A_222 : i32
      %mul3A_224 = arith.constant 10000 : i32
      %mul3A_225 = arith.muli %add3A, %mul3A_224 : i32
      %mul3A_226 = arith.constant 80 : i32
      %mul3A_227 = arith.muli %add3A_223, %mul3A_226 : i32
      %add3A_228 = arith.addi %mul3A_225, %mul3A_227 : i32
      %dma_wait3A_229 = tpu.memref_slice %arg3[%add3A_228] : memref<320000xi32, #tpu.memory_space<hbm>> -> memref<80xi32, #tpu.memory_space<hbm>>
      %dma_wait3A_230 = tpu.memref_slice %arg3[%add3A_228] : memref<320000xi32, #tpu.memory_space<hbm>> -> memref<80xi32, #tpu.memory_space<hbm>>
      tpu.wait_dma2 semaphore(%arg16 : memref<!tpu.dma_semaphore, #tpu.memory_space<semaphore_mem>>) src(%dma_wait3A_230 : memref<80xi32, #tpu.memory_space<hbm>>) dst(%arg8 : memref<80xi32, #tpu.memory_space<vmem>>)
      %mul3A_231 = arith.constant 10000 : i32
      %mul3A_232 = arith.muli %add3A, %mul3A_231 : i32
      %mul3A_233 = arith.constant 80 : i32
      %mul3A_234 = arith.muli %add3A_223, %mul3A_233 : i32
      %add3A_235 = arith.addi %mul3A_232, %mul3A_234 : i32
      %dma_wait3A_236 = arith.constant 0 : i32
      %dma_wait3A_237 = tpu.memref_slice %arg2[%add3A_235, %dma_wait3A_236] : memref<320000x128xf32, #tpu.memory_space<hbm>> -> memref<80x128xf32, #tpu.memory_space<hbm>>
      %dma_wait3A_238 = arith.constant 0 : i32
      %dma_wait3A_239 = tpu.memref_slice %arg2[%add3A_235, %dma_wait3A_238] : memref<320000x128xf32, #tpu.memory_space<hbm>> -> memref<80x128xf32, #tpu.memory_space<hbm>>
      tpu.wait_dma2 semaphore(%arg16 : memref<!tpu.dma_semaphore, #tpu.memory_space<semaphore_mem>>) src(%dma_wait3A_239 : memref<80x128xf32, #tpu.memory_space<hbm>>) dst(%arg12 : memref<80x128xf32, #tpu.memory_space<vmem>>)
      "tpu.region"() ({
        %run_scoped3A = tpu.sem_alloc : memref<!tpu.dma_semaphore, #tpu.memory_space<semaphore_mem>>
        %dma_start3A_247 = arith.constant 0 : i32
        %dma_start3A_248 = arith.constant 0 : i32
        %dma_start3A_249 = tpu.memref_slice %arg18[%dma_start3A_247, %dma_start3A_248] : memref<10000x128xf32, #tpu.memory_space<vmem_shared>> -> memref<10000x128xf32, #tpu.memory_space<vmem_shared>>
        tpu.enqueue_indirect_dma source(%arg12 : memref<80x128xf32, #tpu.memory_space<vmem>>) target(%dma_start3A_249 : memref<10000x128xf32, #tpu.memory_space<vmem_shared>>) offsets(%arg8 : memref<80xi32, #tpu.memory_space<vmem>>) semaphore(%run_scoped3A : memref<!tpu.dma_semaphore, #tpu.memory_space<semaphore_mem>>) {add = true}
        %dma_wait3A_250 = arith.constant 0 : i32
        %dma_wait3A_251 = arith.constant 0 : i32
        %dma_wait3A_252 = tpu.memref_slice %arg18[%dma_wait3A_250, %dma_wait3A_251] : memref<10000x128xf32, #tpu.memory_space<vmem_shared>> -> memref<10000x128xf32, #tpu.memory_space<vmem_shared>>
        tpu.wait_indirect_dma semaphore(%run_scoped3A : memref<!tpu.dma_semaphore, #tpu.memory_space<semaphore_mem>>) src(%arg12 : memref<80x128xf32, #tpu.memory_space<vmem>>) dst(%dma_wait3A_252 : memref<10000x128xf32, #tpu.memory_space<vmem_shared>>)
        tpu.yield
      }) : () -> ()
      %add3A_240 = arith.constant 4 : i32
      %add3A_241 = arith.addi %add3A_223, %add3A_240 : i32
      %lt3A_242 = arith.constant 125 : i32
      %lt3A_243 = arith.cmpi slt, %add3A_241, %lt3A_242 : i32
      %convert_element_type3A_244 = arith.extui %lt3A_243 : i1 to i32
      %cond3A_245 = arith.constant 0 : i32
      %cond3A_246 = arith.cmpi ne, %convert_element_type3A_244, %cond3A_245 : i32
      scf.if %cond3A_246 {
        %add3A_247 = arith.constant 4 : i32
        %add3A_248 = arith.addi %add3A_223, %add3A_247 : i32
        %mul3A_249 = arith.constant 10000 : i32
        %mul3A_250 = arith.muli %add3A, %mul3A_249 : i32
        %mul3A_251 = arith.constant 80 : i32
        %mul3A_252 = arith.muli %add3A_248, %mul3A_251 : i32
        %add3A_253 = arith.addi %mul3A_250, %mul3A_252 : i32
        %dma_start3A_254 = tpu.memref_slice %arg3[%add3A_253] : memref<320000xi32, #tpu.memory_space<hbm>> -> memref<80xi32, #tpu.memory_space<hbm>>
        %dma_start3A_255 = tpu.memref_slice %arg3[%add3A_253] : memref<320000xi32, #tpu.memory_space<hbm>> -> memref<80xi32, #tpu.memory_space<hbm>>
        tpu.enqueue_dma source(%dma_start3A_255 : memref<80xi32, #tpu.memory_space<hbm>>) target(%arg8 : memref<80xi32, #tpu.memory_space<vmem>>) target_semaphore(%arg16 : memref<!tpu.dma_semaphore, #tpu.memory_space<semaphore_mem>>)
        %mul3A_256 = arith.constant 10000 : i32
        %mul3A_257 = arith.muli %add3A, %mul3A_256 : i32
        %mul3A_258 = arith.constant 80 : i32
        %mul3A_259 = arith.muli %add3A_248, %mul3A_258 : i32
        %add3A_260 = arith.addi %mul3A_257, %mul3A_259 : i32
        %dma_start3A_261 = arith.constant 0 : i32
        %dma_start3A_262 = tpu.memref_slice %arg2[%add3A_260, %dma_start3A_261] : memref<320000x128xf32, #tpu.memory_space<hbm>> -> memref<80x128xf32, #tpu.memory_space<hbm>>
        %dma_start3A_263 = arith.constant 0 : i32
        %dma_start3A_264 = tpu.memref_slice %arg2[%add3A_260, %dma_start3A_263] : memref<320000x128xf32, #tpu.memory_space<hbm>> -> memref<80x128xf32, #tpu.memory_space<hbm>>
        tpu.enqueue_dma source(%dma_start3A_264 : memref<80x128xf32, #tpu.memory_space<hbm>>) target(%arg12 : memref<80x128xf32, #tpu.memory_space<vmem>>) target_semaphore(%arg16 : memref<!tpu.dma_semaphore, #tpu.memory_space<semaphore_mem>>)
      } else {
      }
    }
    %scan3A_121 = arith.constant 31 : i32
    %mul3A_122 = arith.constant 10000 : i32
    %mul3A_123 = arith.muli %add3A, %mul3A_122 : i32
    %add3A_124 = arith.constant 9920 : i32
    %add3A_125 = arith.addi %mul3A_123, %add3A_124 : i32
    %dma_wait3A = tpu.memref_slice %arg3[%add3A_125] : memref<320000xi32, #tpu.memory_space<hbm>> -> memref<80xi32, #tpu.memory_space<hbm>>
    %dma_wait3A_126 = tpu.memref_slice %arg3[%add3A_125] : memref<320000xi32, #tpu.memory_space<hbm>> -> memref<80xi32, #tpu.memory_space<hbm>>
    tpu.wait_dma2 semaphore(%arg13 : memref<!tpu.dma_semaphore, #tpu.memory_space<semaphore_mem>>) src(%dma_wait3A_126 : memref<80xi32, #tpu.memory_space<hbm>>) dst(%arg5 : memref<80xi32, #tpu.memory_space<vmem>>)
    %mul3A_127 = arith.constant 10000 : i32
    %mul3A_128 = arith.muli %add3A, %mul3A_127 : i32
    %add3A_129 = arith.constant 9920 : i32
    %add3A_130 = arith.addi %mul3A_128, %add3A_129 : i32
    %dma_wait3A_131 = arith.constant 0 : i32
    %dma_wait3A_132 = tpu.memref_slice %arg2[%add3A_130, %dma_wait3A_131] : memref<320000x128xf32, #tpu.memory_space<hbm>> -> memref<80x128xf32, #tpu.memory_space<hbm>>
    %dma_wait3A_133 = arith.constant 0 : i32
    %dma_wait3A_134 = tpu.memref_slice %arg2[%add3A_130, %dma_wait3A_133] : memref<320000x128xf32, #tpu.memory_space<hbm>> -> memref<80x128xf32, #tpu.memory_space<hbm>>
    tpu.wait_dma2 semaphore(%arg13 : memref<!tpu.dma_semaphore, #tpu.memory_space<semaphore_mem>>) src(%dma_wait3A_134 : memref<80x128xf32, #tpu.memory_space<hbm>>) dst(%arg9 : memref<80x128xf32, #tpu.memory_space<vmem>>)
    "tpu.region"() ({
      %run_scoped3A = tpu.sem_alloc : memref<!tpu.dma_semaphore, #tpu.memory_space<semaphore_mem>>
      %dma_start3A_145 = arith.constant 0 : i32
      %dma_start3A_146 = arith.constant 0 : i32
      %dma_start3A_147 = tpu.memref_slice %arg18[%dma_start3A_145, %dma_start3A_146] : memref<10000x128xf32, #tpu.memory_space<vmem_shared>> -> memref<10000x128xf32, #tpu.memory_space<vmem_shared>>
      tpu.enqueue_indirect_dma source(%arg9 : memref<80x128xf32, #tpu.memory_space<vmem>>) target(%dma_start3A_147 : memref<10000x128xf32, #tpu.memory_space<vmem_shared>>) offsets(%arg5 : memref<80xi32, #tpu.memory_space<vmem>>) semaphore(%run_scoped3A : memref<!tpu.dma_semaphore, #tpu.memory_space<semaphore_mem>>) {add = true}
      %dma_wait3A_148 = arith.constant 0 : i32
      %dma_wait3A_149 = arith.constant 0 : i32
      %dma_wait3A_150 = tpu.memref_slice %arg18[%dma_wait3A_148, %dma_wait3A_149] : memref<10000x128xf32, #tpu.memory_space<vmem_shared>> -> memref<10000x128xf32, #tpu.memory_space<vmem_shared>>
      tpu.wait_indirect_dma semaphore(%run_scoped3A : memref<!tpu.dma_semaphore, #tpu.memory_space<semaphore_mem>>) src(%arg9 : memref<80x128xf32, #tpu.memory_space<vmem>>) dst(%dma_wait3A_150 : memref<10000x128xf32, #tpu.memory_space<vmem_shared>>)
      tpu.yield
    }) : () -> ()
    %barrier3A_135 = arith.constant 0 : index
    tpu.barrier barrier_id(%barrier3A_135)
    %mul3A_136 = arith.constant 624 : i32
    %mul3A_137 = arith.muli %arg1, %mul3A_136 : i32
    %mul3A_138 = arith.constant 624 : i32
    %mul3A_139 = arith.muli %arg1, %mul3A_138 : i32
    "tpu.region"() ({
      %run_scoped3A = tpu.sem_alloc : memref<!tpu.dma_semaphore, #tpu.memory_space<semaphore_mem>>
      %dma_start3A_145 = arith.constant 0 : i32
      %dma_start3A_146 = tpu.memref_slice %arg4[%arg0, %mul3A_139, %dma_start3A_145] : memref<2x10000x128xf32, #tpu.memory_space<hbm>> -> memref<1x624x128xf32, #tpu.memory_space<hbm>>
      %dma_start3A_147 = tpu.memref_squeeze %dma_start3A_146 : memref<1x624x128xf32, #tpu.memory_space<hbm>> -> memref<624x128xf32, #tpu.memory_space<hbm>>
      %dma_start3A_148 = arith.constant 0 : i32
      %dma_start3A_149 = tpu.memref_slice %arg18[%mul3A_137, %dma_start3A_148] : memref<10000x128xf32, #tpu.memory_space<vmem_shared>> -> memref<624x128xf32, #tpu.memory_space<vmem_shared>>
      tpu.enqueue_dma source(%dma_start3A_149 : memref<624x128xf32, #tpu.memory_space<vmem_shared>>) target(%dma_start3A_147 : memref<624x128xf32, #tpu.memory_space<hbm>>) target_semaphore(%run_scoped3A : memref<!tpu.dma_semaphore, #tpu.memory_space<semaphore_mem>>)
      %dma_wait3A_150 = arith.constant 0 : i32
      %dma_wait3A_151 = tpu.memref_slice %arg4[%arg0, %mul3A_139, %dma_wait3A_150] : memref<2x10000x128xf32, #tpu.memory_space<hbm>> -> memref<1x624x128xf32, #tpu.memory_space<hbm>>
      %dma_wait3A_152 = tpu.memref_squeeze %dma_wait3A_151 : memref<1x624x128xf32, #tpu.memory_space<hbm>> -> memref<624x128xf32, #tpu.memory_space<hbm>>
      %dma_wait3A_153 = arith.constant 0 : i32
      %dma_wait3A_154 = tpu.memref_slice %arg18[%mul3A_137, %dma_wait3A_153] : memref<10000x128xf32, #tpu.memory_space<vmem_shared>> -> memref<624x128xf32, #tpu.memory_space<vmem_shared>>
      tpu.wait_dma2 semaphore(%run_scoped3A : memref<!tpu.dma_semaphore, #tpu.memory_space<semaphore_mem>>) src(%dma_wait3A_154 : memref<624x128xf32, #tpu.memory_space<vmem_shared>>) dst(%dma_wait3A_152 : memref<624x128xf32, #tpu.memory_space<hbm>>)
      tpu.yield
    }) : () -> ()
    %eq3A_140 = arith.constant 0 : i32
    %eq3A_141 = arith.cmpi eq, %arg1, %eq3A_140 : i32
    %convert_element_type3A_142 = arith.extui %eq3A_141 : i1 to i32
    %cond3A_143 = arith.constant 0 : i32
    %cond3A_144 = arith.cmpi ne, %convert_element_type3A_142, %cond3A_143 : i32
    scf.if %cond3A_144 {
      "tpu.region"() ({
        %run_scoped3A = tpu.sem_alloc : memref<!tpu.dma_semaphore, #tpu.memory_space<semaphore_mem>>
        %dma_start3A_145 = arith.constant 9984 : i32
        %dma_start3A_146 = arith.constant 0 : i32
        %dma_start3A_147 = tpu.memref_slice %arg4[%arg0, %dma_start3A_145, %dma_start3A_146] : memref<2x10000x128xf32, #tpu.memory_space<hbm>> -> memref<1x16x128xf32, #tpu.memory_space<hbm>>
        %dma_start3A_148 = tpu.memref_squeeze %dma_start3A_147 : memref<1x16x128xf32, #tpu.memory_space<hbm>> -> memref<16x128xf32, #tpu.memory_space<hbm>>
        %dma_start3A_149 = arith.constant 9984 : i32
        %dma_start3A_150 = arith.constant 0 : i32
        %dma_start3A_151 = tpu.memref_slice %arg18[%dma_start3A_149, %dma_start3A_150] : memref<10000x128xf32, #tpu.memory_space<vmem_shared>> -> memref<16x128xf32, #tpu.memory_space<vmem_shared>>
        tpu.enqueue_dma source(%dma_start3A_151 : memref<16x128xf32, #tpu.memory_space<vmem_shared>>) target(%dma_start3A_148 : memref<16x128xf32, #tpu.memory_space<hbm>>) target_semaphore(%run_scoped3A : memref<!tpu.dma_semaphore, #tpu.memory_space<semaphore_mem>>)
        %dma_wait3A_152 = arith.constant 9984 : i32
        %dma_wait3A_153 = arith.constant 0 : i32
        %dma_wait3A_154 = tpu.memref_slice %arg4[%arg0, %dma_wait3A_152, %dma_wait3A_153] : memref<2x10000x128xf32, #tpu.memory_space<hbm>> -> memref<1x16x128xf32, #tpu.memory_space<hbm>>
        %dma_wait3A_155 = tpu.memref_squeeze %dma_wait3A_154 : memref<1x16x128xf32, #tpu.memory_space<hbm>> -> memref<16x128xf32, #tpu.memory_space<hbm>>
        %dma_wait3A_156 = arith.constant 9984 : i32
        %dma_wait3A_157 = arith.constant 0 : i32
        %dma_wait3A_158 = tpu.memref_slice %arg18[%dma_wait3A_156, %dma_wait3A_157] : memref<10000x128xf32, #tpu.memory_space<vmem_shared>> -> memref<16x128xf32, #tpu.memory_space<vmem_shared>>
        tpu.wait_dma2 semaphore(%run_scoped3A : memref<!tpu.dma_semaphore, #tpu.memory_space<semaphore_mem>>) src(%dma_wait3A_158 : memref<16x128xf32, #tpu.memory_space<vmem_shared>>) dst(%dma_wait3A_155 : memref<16x128xf32, #tpu.memory_space<hbm>>)
        tpu.yield
      }) : () -> ()
    } else {
    }
    return
  }
}

module attributes {stable_mosaic.version = 14 : i64} {
  func.func @_tc_dense_body(%arg0: i32, %arg1: memref<5000x128xf32, #tpu.memory_space<vmem>>, %arg2: memref<2x5000x128xf32, #tpu.memory_space<vmem>>, %arg3: memref<128x128xf32, #tpu.memory_space<vmem>>, %arg4: memref<128x128xf32, #tpu.memory_space<vmem>>, %arg5: memref<5000x128xf32, #tpu.memory_space<vmem>>) attributes {dimension_semantics = [#tpu.dimension_semantics<arbitrary>], iteration_bounds = array<i64: 2>, scalar_prefetch = 0 : i64, scratch_operands = 0 : i64, tpu.core_type = #tpu.core_type<tc>, window_params = [{transform_indices = @transform_0, window_bounds = array<i64: 5000, 128>}, {transform_indices = @transform_1, window_bounds = array<i64: 2, 5000, 128>}, {pipeline_mode = #tpu.pipeline_mode<synchronous>, transform_indices = @transform_2, window_bounds = array<i64: 128, 128>}, {pipeline_mode = #tpu.pipeline_mode<synchronous>, transform_indices = @transform_3, window_bounds = array<i64: 128, 128>}, {transform_indices = @transform_4, window_bounds = array<i64: 5000, 128>}]} {
    %get3A = arith.constant 0 : index
    %get3A_0 = arith.constant 0 : index
    %get3A_1 = arith.constant 0 : index
    %get3A_2 = vector.load %arg2[%get3A, %get3A_0, %get3A_1] : memref<2x5000x128xf32, #tpu.memory_space<vmem>>, vector<1x5000x128xf32>
    %get3A_3 = vector.shape_cast %get3A_2 : vector<1x5000x128xf32> to vector<5000x128xf32>
    %get3A_4 = arith.constant 1 : index
    %get3A_5 = arith.constant 0 : index
    %get3A_6 = arith.constant 0 : index
    %get3A_7 = vector.load %arg2[%get3A_4, %get3A_5, %get3A_6] : memref<2x5000x128xf32, #tpu.memory_space<vmem>>, vector<1x5000x128xf32>
    %get3A_8 = vector.shape_cast %get3A_7 : vector<1x5000x128xf32> to vector<5000x128xf32>
    %add3A = arith.addf %get3A_3, %get3A_8 : vector<5000x128xf32>
    %get3A_9 = arith.constant 0 : index
    %get3A_10 = arith.constant 0 : index
    %get3A_11 = vector.load %arg1[%get3A_9, %get3A_10] : memref<5000x128xf32, #tpu.memory_space<vmem>>, vector<5000x128xf32>
    %get3A_12 = arith.constant 0 : index
    %get3A_13 = arith.constant 0 : index
    %get3A_14 = vector.load %arg3[%get3A_12, %get3A_13] : memref<128x128xf32, #tpu.memory_space<vmem>>, vector<128x128xf32>
    %dot_general3A = arith.constant dense<0.000000e+00> : vector<5000x128xf32>
    %dot_general3A_15 = tpu.matmul %get3A_11, %get3A_14, %dot_general3A {dimension_numbers = #tpu.dot_dimension_numbers<[1], [1], [0], [0], [0, 0, 1, 0], [], []>, transpose_lhs_hint = false} : vector<5000x128xf32>, vector<128x128xf32>, vector<5000x128xf32> -> vector<5000x128xf32>
    %get3A_16 = arith.constant 0 : index
    %get3A_17 = arith.constant 0 : index
    %get3A_18 = vector.load %arg4[%get3A_16, %get3A_17] : memref<128x128xf32, #tpu.memory_space<vmem>>, vector<128x128xf32>
    %dot_general3A_19 = arith.constant dense<0.000000e+00> : vector<5000x128xf32>
    %dot_general3A_20 = tpu.matmul %add3A, %get3A_18, %dot_general3A_19 {dimension_numbers = #tpu.dot_dimension_numbers<[1], [0], [0], [1], [0, 0, 1, 1], [], []>, transpose_lhs_hint = false} : vector<5000x128xf32>, vector<128x128xf32>, vector<5000x128xf32> -> vector<5000x128xf32>
    %add3A_21 = arith.addf %dot_general3A_15, %dot_general3A_20 : vector<5000x128xf32>
    %mul3A = arith.mulf %add3A_21, %add3A_21 : vector<5000x128xf32>
    %reduce_sum3A = arith.constant dense<0.000000e+00> : vector<5000xf32>
    %reduce_sum3A_22 = vector.multi_reduction <add>, %mul3A, %reduce_sum3A [1] : vector<5000x128xf32> to vector<5000xf32>
    %broadcast_in_dim3A = vector.shape_cast %reduce_sum3A_22 : vector<5000xf32> to vector<5000x1xf32>
    %sqrt3A = math.sqrt %broadcast_in_dim3A : vector<5000x1xf32>
    %max3A = arith.constant 9.99999996E-13 : f32
    %max3A_23 = vector.broadcast %max3A : f32 to vector<5000x1xf32>
    %max3A_24 = arith.maximumf %sqrt3A, %max3A_23 : vector<5000x1xf32>
    %div3A = vector.broadcast %max3A_24 : vector<5000x1xf32> to vector<5000x128xf32>
    %div3A_25 = arith.divf %add3A_21, %div3A : vector<5000x128xf32>
    %swap3A = arith.constant 0 : index
    %swap3A_26 = arith.constant 0 : index
    %swap3A_27 = vector.load %arg5[%swap3A, %swap3A_26] : memref<5000x128xf32, #tpu.memory_space<vmem>>, vector<5000x128xf32>
    tpu.vector_store %arg5[%swap3A, %swap3A_26], %div3A_25 {strides = array<i32>} : memref<5000x128xf32, #tpu.memory_space<vmem>>, vector<5000x128xf32>,
    return
  }
  func.func @transform_0(%arg0: i32) -> (i32, i32) {
    %c0_i32 = arith.constant 0 : i32
    %c0_i32_0 = arith.constant 0 : i32
    return %arg0, %c0_i32 : i32, i32
  }
  func.func @transform_1(%arg0: i32) -> (i32, i32, i32) {
    %c0_i32 = arith.constant 0 : i32
    %c0_i32_0 = arith.constant 0 : i32
    %c0_i32_1 = arith.constant 0 : i32
    return %c0_i32, %arg0, %c0_i32_0 : i32, i32, i32
  }
  func.func @transform_2(%arg0: i32) -> (i32, i32) {
    %c0_i32 = arith.constant 0 : i32
    %c0_i32_0 = arith.constant 0 : i32
    %c0_i32_1 = arith.constant 0 : i32
    return %c0_i32, %c0_i32_0 : i32, i32
  }
  func.func @transform_3(%arg0: i32) -> (i32, i32) {
    %c0_i32 = arith.constant 0 : i32
    %c0_i32_0 = arith.constant 0 : i32
    %c0_i32_1 = arith.constant 0 : i32
    return %c0_i32, %c0_i32_0 : i32, i32
  }
  func.func @transform_4(%arg0: i32) -> (i32, i32) {
    %c0_i32 = arith.constant 0 : i32
    %c0_i32_0 = arith.constant 0 : i32
    return %arg0, %c0_i32 : i32, i32
  }
}

</mosaic_0001>

<sc_bundles>
// kernel: kernel.4.cloned.1.call-start
scs
__scs_entry_jumppad:
0x0: {  	(pc) =	sbr.rel $0x88, $3  }
0x1: {  	(tag) =	ssettag $0x0;
	lr =	simm.s32 $0x1  }
0x2: {  	[smem:$0x3F9C] =	sst lr;
	_ =	strace $0xD0000000  }
0x3: {  	_ = 	snop  }
0x4: {  	_ = 	snop  }
0x5: {  	_ = 	snop  }
0x6: {  	_ = 	snop  }
0x7: {  	_ = 	snop  }
__scs_overlays_trampoline_lowered:
0x8: {  	[smem:$0x3FAB] =	sst s0  }
0x9: {  	[smem:$0x3FAC] =	sst s1  }
0xa: {  	[smem:$0x3FAD] =	sst s2  }
0xb: {  	[smem:$0x3FAE] =	sst s3  }
0xc: {  	[smem:$0x3FAF] =	sst s4  }
0xd: {  	[smem:$0x3FB0] =	sst s5  }
0xe: {  	[smem:$0x3FB1] =	sst s6  }
0xf: {  	[smem:$0x3FB2] =	sst s7  }
0x10: {  	[smem:$0x3FB3] =	sst s8  }
0x11: {  	[smem:$0x3FB4] =	sst s9;
	s0 =	simm.s32 @!p0 $0x0  }
0x12: {  	s1 =	sld [smem:$0x3F9A];
	s0 =	simm.s32 @p0 $0x1  }
0x13: {  	[smem:$0x3FB5] =	sst s0;
	s0 =	simm.s32 @!p1 $0x0  }
0x14: {  	s2 =	sld [smem:$0x3F99];
	s0 =	simm.s32 @p1 $0x1  }
0x15: {  	[smem:$0x3FB6] =	sst s0;
	s0 =	simm.s32 @!p2 $0x0  }
0x16: {  	s3 =	sld [smem:$0x3FDB];
	s0 =	simm.s32 @p2 $0x1  }
0x17: {  	s4 =	simm.s32 $0x1BF5;
	[smem:$0x3FB8] =	sst s0  }
0x18: {  	s0 =	sld [smem:$0x3F9B];
	_ =	swait.ge [sflag:s4], $0x0  }
0x19: {  	s7 =	sld [smem:$0x3F9C]  }
0x1a: {  	s8 =	sadd.s32 $0xFFFFE003, lr  }
0x1b: {  	s9 =	sadd.s32 $0xFFFFFEF7, lr;
	s5 =	simm.s32 $0xFFFFFFFF;
	p2 =	slt.u32 s8, $0xFFFFF086  }
0x1c: {  	p1 =	slt.u32 s9, $0xF7A;
	s5 =	simm.s32 @!p2 $0x0  }
0x1d: {  	s5 =	simm.s32 @p1 $0x1;
	p0 =	seq.s32 s7, s2  }
0x1e: {  	s7 =	smul.u32 @!p0 $0xF7A, s2;
	p2 =	seq.s32 @!p0 s5, $0x0  }
0x1f: {  	s9 =	smul.u32 $0xF7A, s1;
	s8 =	simm.s32 @!p0 $0x1BF5;
	p2 =	por !p2, p0  }
0x20: {  	[sflag:s8] =	ssyncset.s32 @!p0 $0xFFFFF086;
	s6 =	sadd.s32 @!p0 s3, s7;
	s7 =	simm.s32 @!p0 $0x108  }
0x21: {  	s3 =	sadd.s32 s3, s9;
	s6 =	sadd.s32 @!p0 $0x88, s6;
	s7 =	simm.s32 @p2 $0x1082  }
0x22: {  	[simem:s7], [sflag:s8] =	dma.local @!p0 [hbm:s6], $0xF7A  }
0x23: {  	s9 =	sor.u32 $0xD0000000, s2;
	s6 =	simm.s32 $0x108;
	_ =	swait.ge @!p0 [sflag:s8], $0x0  }
0x24: {  	s3 =	sadd.s32 $0x88, s3;
	s6 =	simm.s32 @!p1 $0x1082;
	[sflag:s4] =	ssyncset.s32 $0xFFFFF086  }
0x25: {  	[simem:s6], [sflag:s4] =	dma.local [hbm:s3], $0xF7A  }
0x26: {  	[smem:$0x3F9C] =	sst s1;
	(tag) =	ssettag s2;
	_ =	strace s9  }
0x27: {  	s1 =	sld [smem:$0x3FAC]  }
0x28: {  	s2 =	sld [smem:$0x3FAD]  }
0x29: {  	s4 =	sld [smem:$0x3FAF]  }
0x2a: {  	p0 =	seq.s32 s5, $0x0;
	s5 =	sld [smem:$0x3FB0]  }
0x2b: {  	s6 =	sld [smem:$0x3FB1]  }
0x2c: {  	s7 =	sld [smem:$0x3FB2]  }
0x2d: {  	s3 =	simm.s32 $0x108;
	s8 =	sld [smem:$0x3FB3]  }
0x2e: {  	s3 =	simm.s32 @!p0 $0x1082;
	s9 =	sld [smem:$0x3FB4]  }
0x2f: {  	lr =	sadd.s32 s0, s3;
	s0 =	sld [smem:$0x3FAB]  }
0x30: {  	s3 =	sld [smem:$0x3FAE]  }
0x31: {  	[smem:$0x3FB7] =	sst s10  }
0x32: {  	s10 =	sld [smem:$0x3FB5];
	_ =	sdelay $0x3  }
0x33: {  	p0 =	seq.s32 s10, $0x1;
	s10 =	sld [smem:$0x3FB7];
	_ =	sdelay $0x3  }
0x34: {  	[smem:$0x3FB7] =	sst s10  }
0x35: {  	s10 =	sld [smem:$0x3FB6];
	_ =	sdelay $0x3  }
0x36: {  	p1 =	seq.s32 s10, $0x1;
	s10 =	sld [smem:$0x3FB7];
	_ =	sdelay $0x3  }
0x37: {  	[smem:$0x3FB7] =	sst s10  }
0x38: {  	s10 =	sld [smem:$0x3FB8]  }
0x39: {  	_ = 	snop;
	(pc) =	sbr.ind lr, $3  }
0x3a: {  	_ = 	snop  }
0x3b: {  	_ = 	snop  }
0x3c: {  	p2 =	seq.s32 s10, $0x1;
	s10 =	sld [smem:$0x3FB7]  }
0x3d: {  	_ =	shalt  }
0x3e: {  	_ =	shalt  }
0x3f: {  	_ =	shalt  }
0x40: {  	_ =	shalt  }
0x41: {  	_ =	shalt  }
0x42: {  	_ =	shalt  }
0x43: {  	_ =	shalt  }
0x44: {  	_ =	shalt  }
0x45: {  	_ =	shalt  }
0x46: {  	_ =	shalt  }
0x47: {  	_ =	shalt  }
0x48: {  	_ =	shalt  }
0x49: {  	_ =	shalt  }
0x4a: {  	_ =	shalt  }
0x4b: {  	_ =	shalt  }
0x4c: {  	_ =	shalt  }
0x4d: {  	_ =	shalt  }
0x4e: {  	_ =	shalt  }
0x4f: {  	_ =	shalt  }
0x50: {  	_ =	shalt  }
0x51: {  	_ =	shalt  }
0x52: {  	_ =	shalt  }
0x53: {  	_ =	shalt  }
0x54: {  	_ =	shalt  }
0x55: {  	_ =	shalt  }
0x56: {  	_ =	shalt  }
0x57: {  	_ =	shalt  }
0x58: {  	_ =	shalt  }
0x59: {  	_ =	shalt  }
0x5a: {  	_ =	shalt  }
0x5b: {  	_ =	shalt  }
0x5c: {  	_ =	shalt  }
0x5d: {  	_ =	shalt  }
0x5e: {  	_ =	shalt  }
0x5f: {  	_ =	shalt  }
0x60: {  	_ =	shalt  }
0x61: {  	_ =	shalt  }
0x62: {  	_ =	shalt  }
0x63: {  	_ =	shalt  }
0x64: {  	_ =	shalt  }
0x65: {  	_ =	shalt  }
0x66: {  	_ =	shalt  }
0x67: {  	_ =	shalt  }
0x68: {  	_ =	shalt  }
0x69: {  	_ =	shalt  }
0x6a: {  	_ =	shalt  }
0x6b: {  	_ =	shalt  }
0x6c: {  	_ =	shalt  }
0x6d: {  	_ =	shalt  }
0x6e: {  	_ =	shalt  }
0x6f: {  	_ =	shalt  }
0x70: {  	_ =	shalt  }
0x71: {  	_ =	shalt  }
0x72: {  	_ =	shalt  }
0x73: {  	_ =	shalt  }
0x74: {  	_ =	shalt  }
0x75: {  	_ =	shalt  }
0x76: {  	_ =	shalt  }
0x77: {  	_ =	shalt  }
0x78: {  	_ =	shalt  }
0x79: {  	_ =	shalt  }
0x7a: {  	_ =	shalt  }
0x7b: {  	_ =	shalt  }
0x7c: {  	_ =	shalt  }
0x7d: {  	_ =	shalt  }
0x7e: {  	_ =	shalt  }
0x7f: {  	_ =	shalt  }
0x80: {  	_ =	shalt  }
0x81: {  	_ =	shalt  }
0x82: {  	_ =	shalt  }
0x83: {  	_ =	shalt  }
0x84: {  	_ =	shalt  }
0x85: {  	_ =	shalt  }
0x86: {  	_ =	shalt  }
0x87: {  	_ =	shalt  }
.Lfunc_end0:
.L_simem_size_0:
called_computation_lowered:
.L_overlay_start_0:
0x88: {  	s2 =	sld [smem:$0x3FD9]  }
0x89: {  	s3 =	sld [smem:$0x3FFE];
	_ =	sdelay $0x1  }
0x8a: {  	s1 =	srdreg.scid  }
0x8b: {  	s0 =	sand.u32 $0x1, s1  }
0x8c: {  	s17 =	sshll.u32 s0, $0xA;
	s2 =	sadd.s32 s3, s2  }
0x8d: {  	s2 =	sadd.s32 s2, s17  }
0x8e: {  	[smem:$0x3FC3] =	sst s2  }
0x8f: {  	_ = 	snop  }
0x90: {  	s2 =	sld [smem:$0x3FC8]  }
0x91: {  	s18 =	sld [smem:$0x3FC5];
	(tm) =	ssettm $0x1  }
0x92: {  	s4 =	sld [smem:$0x3FFB];
	_ =	sdelay $0x3  }
0x93: {  	_ =	strace s4  }
0x94: {  	s4 =	sld [smem:$0x3FFC];
	_ =	sdelay $0x3  }
0x95: {  	_ =	strace s4  }
0x96: {  	s4 =	sld [smem:$0x3FFD];
	_ =	sdelay $0x3  }
0x97: {  	_ =	strace s4  }
0x98: {  	_ =	strace $0x8FFFFFFF  }
0x99: {  	s19 =	sld [smem:$0x3FDB];
	_ =	sdelay $0x1  }
0x9a: {  	s5 =	simm.s32 $_scs_section_size  }
0x9b: {  	s6 =	simm.s32 $_size__tile_overlayer_lowered;
	s7 =	simm.s32 $_tile_overlayer_lowered  }
0x9c: {  	s22 =	simm.s32 $0x1BFF;
	s21 =	sshll.u32 s7, $0x1;
	s4 =	sadd.s32 s5, s19  }
0x9d: {  	s8 =	simm.s32 $0x0;
	s20 =	sshll.u32 s6, $0x1;
	s6 =	sadd.s32 s21, s4  }
0x9e: {  	[timem:s8], [sflag:s22] =	dma.local [hbm:s6], s20  }
0x9f: {  	_ =	swait.ge [sflag:s22], s20  }
0xa0: {  	s5 =	ssub.s32 $0x0, s20;
	[sflag:s22] =	ssyncset.done $0x0  }
0xa1: {  	[sflag:s22] =	ssyncadd.s32 s5;
	_ =	sdelay $0x1  }
0xa2: {  	s23 =	simm.s32 $0x1B8B  }
0xa3: {  	_ =	swait.ge [sflag:s23], $0x1  }
0xa4: {  	[sflag:s23] =	ssyncset.done $0x0  }
0xa5: {  	s25 =	simm.s32 $0x1B8E;
	s24 =	sld [smem:$0x3FFE];
	[sflag:s23] =	ssyncadd.s32 $0xFFFFFFFF  }
0xa6: {  	s26 =	simm.s32 $execute0_lowered;
	[smem:$0x3FD2] =	sst s25  }
0xa7: {  	s6 =	sshll.u32 s26, $0x1;
	_ =	strace $0x80000046;
	[dreg:$0x1] =	wrdreg $0xFFFFFFFF  }
0xa8: {  	s28 =	simm.s32 $_size_execute0_lowered;
	s4 =	sadd.s32 s4, s6;
	[dreg:$0x0] =	wrdreg $0x0  }
0xa9: {  	s6 =	sshll.u32 s28, $0x1;
	[dreg:$0x2] =	wrdreg s4  }
0xaa: {  	[dreg:$0x3] =	wrdreg s6  }
0xab: {  	[dreg:$0x4] =	wrdreg $0xC0  }
0xac: {  	_ =	task [dreg:s8], $0x5FFFF  }
0xad: {  	[dreg:$0x1] =	wrdreg $0xFFFFFFFF  }
0xae: {  	[dreg:$0x0] =	wrdreg $0x60  }
0xaf: {  	[dreg:$0x2] =	wrdreg s2  }
0xb0: {  	[dreg:$0x3] =	wrdreg s18  }
0xb1: {  	[dreg:$0x4] =	wrdreg s24  }
0xb2: {  	[dreg:$0x5] =	wrdreg $0xBA000  }
0xb3: {  	[dreg:$0x6] =	wrdreg $0x9  }
0xb4: {  	_ =	task.clear_ibuf [dreg:s8], $0x7FFFF;
	_ =	strace $0x90000046  }
0xb5: {  	s29 =	simm.s32 $0x9;
	_ =	strace $0x80000048  }
0xb6: {  	_ =	swait.ge [sflag:s29], $0x1  }
0xb7: {  	[sflag:s29] =	ssyncadd.s32 $0xFFFFFFFF  }
0xb8: {  	_ =	strace $0x90000048  }
0xb9: {  	_ =	sfence  }
0xba: {  	s30 =	sld [smem:$0x0];
	_ =	sdelay $0x2  }
0xbb: {  	s31 =	sshll.u32 s1, $0xD;
	s1 =	sshrl.u32 s1, $0x2  }
0xbc: {  	s3 =	sand.u32 $0x4000, s31;
	s1 =	sadd.s32 s1, s30  }
0xbd: {  	s0 =	sor.u32 s3, s0;
	s1 =	sshll.u32 s1, $0x11  }
0xbe: {  	s0 =	sor.u32 s1, s0  }
0xbf: {  	s0 =	sadd.s32 $0x8F2B, s0  }
0xc0: {  	[sflag:s0] =	ssyncadd.remote.s32 $0x1  }
0xc1: {  	_ =	sfence.sel $0xFFFF  }
0xc2: {  	[dreg:$0x0] =	wrdreg $0xFFFFFFFF;
	(pc) =	sbr.abs _section_cstart, $3  }
0xc3: {  	[dreg:$0x1] =	wrdreg $0xFFFFFFFF  }
0xc4: {  	_ =	task.clear_ibuf [dreg:s8], $0x2FFFF;
	_ =	strace $0x9FFFFFFF  }
0xc5: {  	(tm) =	ssettm $0x7FFFFFFF  }
tec
execute0_lowered:
.L_overlay_start_1:
0x0: {  	(tag) =	ssettag $0x1  }
0x1: {  	s12 =	stileid.u32  }
0x2: {  	s1 =	rddreg [dreg:$0x0];
	s20 =	smul.u32 $0x4E000, s12  }
0x3: {  	s0 =	rddreg [dreg:$0x1];
	s24 =	smul.u32 $0x13800, s12  }
0x4: {  	s4 =	srdreg.scid;
	s29 =	smul.u32 $0x4E200, s12  }
0x5: {  	s2 =	rddreg [dreg:$0x2];
	s5 =	sand.u32 $0x1, s4;
	s31 =	smul.u32 $0x4E20, s12  }
0x6: {  	s3 =	rddreg [dreg:$0x3];
	s23 =	smul.u32 $0x138800, s5  }
0x7: {  	s6 =	sshll.u32 s12, $0x1;
	s4 =	simm.s32 $0x0;
	s13 =	smul.u32 $0x2710, s5  }
0x8: {  	s6 =	sor.u32 s5, s6;
	s8 =	ssub.s32 $0x2, s5;
	s5 =	smul.u32 $0x27100, s5  }
0x9: {  	s2 =	sadd.s32 $0xC00, s2;
	p0 =	sne.s32 s12, $0x0;
	s7 =	smul.u32 $0x2710, s6  }
0xa: {  	s12 =	simm.s32 $0x7A00;
	[smem:$0x7FF] =	sst s4;
	s6 =	smul.u32 $0x27100, s6  }
0xb: {  	_ =	strace $0x80000047;
	s9 =	sshrl.u32 s8, $0x1;
	s22 =	sshrl.u32 s20, $0x2  }
0xc: {  	s8 =	ssub.s32 s8, s9;
	s11 =	sadd.s32 s22, s3;
	s6 =	sadd.s32 s1, s6  }
0xd: {  	s28 =	sadd.s32 s24, s23;
	s25 =	sadd.s32 $0x1800, s11;
	[dreg:$0x6] =	wrdreg s6  }
0xe: {  	s10 =	sshrl.u32 s7, $0x3;
	s26 =	sadd.s32 $0x3000, s11;
	[dreg:$0xd] =	wrdreg s25  }
0xf: {  	s15 =	sadd.s32 $0x50, s7;
	s30 =	sadd.s32 $0x4800, s11;
	[dreg:$0xe] =	wrdreg s26  }
0x10: {  	s18 =	sadd.s32 $0xA0, s7;
	s14 =	sadd.s32 s0, s10;
	[dreg:$0xf] =	wrdreg s30  }
0x11: {  	s21 =	sadd.s32 $0xF0, s7;
	s25 =	sadd.s32 $0x7800, s11;
	[dreg:$0x5] =	wrdreg s14  }
0x12: {  	s16 =	sshrl.u32 s15, $0x3;
	s26 =	sadd.s32 $0x9000, s11;
	[dreg:$0x18] =	wrdreg s25  }
0x13: {  	s9 =	sshll.u32 s15, $0x4;
	s30 =	sadd.s32 $0xD800, s11;
	[dreg:$0x19] =	wrdreg s26  }
0x14: {  	s15 =	sadd.s32 s13, s31;
	s31 =	sadd.s32 $0xF000, s11;
	[dreg:$0x1c] =	wrdreg s30  }
0x15: {  	s19 =	sshrl.u32 s18, $0x3;
	s6 =	sadd.s32 s0, s16;
	[dreg:$0x1d] =	wrdreg s31  }
0x16: {  	s7 =	sshrl.u32 s21, $0x3;
	s17 =	sadd.s32 s1, s9;
	[dreg:$0x7] =	wrdreg s6  }
0x17: {  	s10 =	sshrl.u32 s23, $0x3;
	s9 =	sadd.s32 s0, s19;
	[dreg:$0x8] =	wrdreg s17  }
0x18: {  	s13 =	simm.s32 $0xA200;
	s7 =	sadd.s32 s0, s7;
	[dreg:$0x9] =	wrdreg s9  }
0x19: {  	s14 =	sadd.s32 $0x6000, s11;
	s16 =	smax.u32 s8, $0x1;
	[dreg:$0xb] =	wrdreg s7  }
0x1a: {  	s19 =	sadd.s32 $0x190, s15;
	s24 =	sadd.s32 $0x140, s15;
	[dreg:$0x11] =	wrdreg s14  }
0x1b: {  	s8 =	simm.s32 $0x80;
	s6 =	sshll.u32 s18, $0x4;
	[dreg:$0x13] =	wrdreg s16  }
0x1c: {  	s17 =	sadd.s32 $0x230, s15;
	s18 =	sadd.s32 $0x1E0, s15;
	s22 =	sshrl.u32 s19, $0x3  }
0x1d: {  	[dreg:$0x17] =	wrdreg s24;
	s7 =	simm.s32 $0x200;
	s9 =	simm.s32 $0x2A00  }
0x1e: {  	s14 =	simm.s32 $0x5;
	s15 =	simm.s32 $0x1;
	s16 =	simm.s32 $0x50  }
0x1f: {  	s19 =	simm.s32 $0x0;
	s6 =	sadd.s32 s1, s6;
	s20 =	sshrl.u32 s18, $0x3  }
0x20: {  	s23 =	sadd.s32 s22, s0;
	[dreg:$0xa] =	wrdreg s6;
	s6 =	sshll.u32 s21, $0x4  }
0x21: {  	s18 =	simm.s32 $0x4;
	[dreg:$0x16] =	wrdreg s23;
	s6 =	sadd.s32 s1, s6  }
0x22: {  	s1 =	sadd.s32 s29, s1;
	s29 =	sadd.s32 $0xC000, s11;
	[dreg:$0xc] =	wrdreg s6  }
0x23: {  	s6 =	sshrl.u32 s28, $0x3;
	s21 =	sadd.s32 s5, s1;
	s1 =	sshrl.u32 s17, $0x3  }
0x24: {  	s28 =	sadd.s32 $0xA800, s11;
	[dreg:$0x1b] =	wrdreg s29;
	s5 =	sadd.s32 $0x12000, s11  }
.Ltmp0:
0x25: {  	s6 =	sadd.s32 s2, s6;
	[dreg:$0x1a] =	wrdreg s28;
	(pc) =	sbr.rel .LBB2_1-.Ltmp0, $4  }
0x26: {  	s2 =	sadd.s32 s2, s10;
	s1 =	sadd.s32 s1, s0;
	[dreg:$0x10] =	wrdreg s6  }
0x27: {  	s17 =	simm.s32 $0x2;
	s2 =	sadd.s32 $0x27000, s2;
	[dreg:$0x14] =	wrdreg s1  }
0x28: {  	s10 =	simm.s32 $0x180;
	s1 =	sadd.s32 s20, s0;
	[dreg:$0x12] =	wrdreg s2  }
0x29: {  	v0 =	vimm.f32 $0.0e+00;
	s6 =	sadd.s32 $0x138000, s3;
	[dreg:$0x15] =	wrdreg s1;
	s2 =	sadd.s32 $0x10800, s11  }
.LBB2_6:
0x2a: {  	_ =	swait.ge [sflag:s15], $0x50  }
0x2b: {  	[sflag:s15] =	ssyncset.done $0x0  }
0x2c: {  	[sflag:s15] =	ssyncadd.s32 $0xFFFFFFB0  }
0x2d: {  	_ =	swait.ge [sflag:s15], $0x2800  }
0x2e: {  	[sflag:s15] =	ssyncset.done $0x0  }
0x2f: {  	[sflag:s15] =	ssyncadd.s32 $0xFFFFD800  }
0x30: {  	[spmem:s3] =	stream.indirect.scatter.add.f32 [tilespmem:s7], [sflag:$0x5], $0x80, s4, s16, $0xb8;
	[tilespmem:$0x1F280] =	vst v63  }
0x31: {  	_ =	swait.ge [sflag:s14], $0x2800  }
0x32: {  	[sflag:s14] =	ssyncset.done $0x0  }
0x33: {  	s1 =	stileid.u32;
	[sflag:s14] =	ssyncadd.s32 $0xFFFFD800  }
0x34: {  	s1 =	sshll.u32 s1, $0x6;
	[bflag:$0x0] =	sbarrier.arrive $0xFFFF  }
0x35: {  	s20 =	sshrl.u32 s11, $0x3;
	s1 =	sor.u32 $0x1C05, s1;
	s22 =	rddreg [dreg:$0x10]  }
0x36: {  	[hbm:s22], [sflag:s1] =	dma.local [spmem:s20], $0x2700  }
0x37: {  	_ =	swait.ge [sflag:s14], $0x2700  }
0x38: {  	[sflag:s14] =	ssyncset.done $0x0  }
0x39: {  	s20 =	sshrl.u32 @!p0 s6, $0x3;
	s22 =	rddreg [dreg:$0x12];
	[sflag:s14] =	ssyncadd.s32 $0xFFFFD900  }
0x3a: {  	[hbm:s22], [sflag:s1] =	dma.local @!p0 [spmem:s20], $0x100  }
0x3b: {  	s1 =	simm.s32 @!p0 $0x5  }
0x3c: {  	_ =	swait.ge @!p0 [sflag:s1], $0x100  }
0x3d: {  	s19 =	sadd.s32 $0x1, s19;
	s31 =	rddreg [dreg:$0x13]  }
0x3e: {  	p1 =	sne.s32 s19, s31  }
.Ltmp1:
0x3f: {  	_ = 	snop;
	(pc) =	sbr.rel @!p1 .LBB2_7-.Ltmp1, $3  }
0x40: {  	_ =	sdelay $0x1  }
0x41: {  	[sflag:s1] =	ssyncset.done @!p0 $0x0  }
0x42: {  	[sflag:s1] =	ssyncadd.s32 @!p0 $0xFFFFFF00  }
.LBB2_1:
0x43: {  	s1 =	rddreg [dreg:$0x5]  }
0x44: {  	[tilespmem:s4], [sflag:$0x1] =	stream.linear.gather [hbm4b:s1+s4], $0x50, $0x38;
	[tilespmem:$0x1F280] =	vst v63  }
0x45: {  	s23 =	rddreg [dreg:$0x6]  }
0x46: {  	[tilespmem:s7], [sflag:$0x1] =	stream.linear.gather [hbm4b:s23+s4], $0x2800, $0x38;
	[tilespmem:$0x1F280] =	vst v63  }
0x47: {  	s24 =	rddreg [dreg:$0x7]  }
0x48: {  	[tilespmem:s8], [sflag:$0x2] =	stream.linear.gather [hbm4b:s24+s4], $0x50, $0x38;
	[tilespmem:$0x1F280] =	vst v63  }
0x49: {  	s25 =	rddreg [dreg:$0x8]  }
0x4a: {  	[tilespmem:s9], [sflag:$0x2] =	stream.linear.gather [hbm4b:s25+s4], $0x2800, $0x38;
	[tilespmem:$0x1F280] =	vst v63  }
0x4b: {  	s26 =	rddreg [dreg:$0x9];
	s20 =	simm.s32 $0x100  }
0x4c: {  	[tilespmem:s20], [sflag:$0x3] =	stream.linear.gather [hbm4b:s26+s4], $0x50, $0x38;
	[tilespmem:$0x1F280] =	vst v63  }
0x4d: {  	s28 =	rddreg [dreg:$0xa];
	s29 =	simm.s32 $0x5200  }
0x4e: {  	[tilespmem:s29], [sflag:$0x3] =	stream.linear.gather [hbm4b:s28+s4], $0x2800, $0x38;
	[tilespmem:$0x1F280] =	vst v63  }
0x4f: {  	s30 =	rddreg [dreg:$0xb]  }
0x50: {  	[tilespmem:s10], [sflag:$0x4] =	stream.linear.gather [hbm4b:s30+s4], $0x50, $0x38;
	[tilespmem:$0x1F280] =	vst v63  }
0x51: {  	s31 =	rddreg [dreg:$0xc];
	s22 =	simm.s32 $0x200;
	s20 =	simm.s32 $0x0  }
0x52: {  	[tilespmem:s12], [sflag:$0x4] =	stream.linear.gather [hbm4b:s31+s4], $0x2800, $0x38;
	[tilespmem:$0x1F280] =	vst v63  }
.LBB2_2:
0x53: {  	p1 =	sne.s32 s22, $0x5E00;
	[tilespmem:s20+$0xA270] =	vst v0  }
0x54: {  	[tilespmem:s20+$0xA200] =	vst v0  }
0x55: {  	[tilespmem:s20+$0xA210] =	vst v0  }
.Ltmp2:
0x56: {  	[tilespmem:s20+$0xA220] =	vst v0;
	(pc) =	sbr.rel @p1 .LBB2_2-.Ltmp2, $4  }
0x57: {  	[tilespmem:s20+$0xA230] =	vst v0  }
0x58: {  	[tilespmem:s20+$0xA240] =	vst v0  }
0x59: {  	[tilespmem:s20+$0xA250] =	vst v0  }
0x5a: {  	[tilespmem:s20+$0xA260] =	vst v0;
	s20 =	sshra.s32 s22, $0x2;
	s22 =	sadd.s32 $0x200, s22  }
0x5b: {  	[tilespmem:s20+$0xA270] =	vst v0  }
0x5c: {  	[tilespmem:s20+$0xA200] =	vst v0  }
0x5d: {  	[tilespmem:s20+$0xA210] =	vst v0  }
0x5e: {  	[tilespmem:s20+$0xA220] =	vst v0  }
0x5f: {  	[tilespmem:s20+$0xA230] =	vst v0  }
0x60: {  	[tilespmem:s20+$0xA240] =	vst v0  }
0x61: {  	[tilespmem:s20+$0xA250] =	vst v0  }
0x62: {  	[tilespmem:s20+$0xA260] =	vst v0  }
0x63: {  	[spmem:s11] =	stream.linear.scatter [tilespmem:s13], [sflag:$0x5], $0x1800, $0x38;
	[tilespmem:$0x1F280] =	vst v63  }
0x64: {  	_ =	swait.ge [sflag:s14], $0x1800  }
0x65: {  	[sflag:s14] =	ssyncset.done $0x0  }
0x66: {  	s1 =	rddreg [dreg:$0xd];
	[sflag:s14] =	ssyncadd.s32 $0xFFFFE800  }
0x67: {  	[spmem:s1] =	stream.linear.scatter [tilespmem:s13], [sflag:$0x5], $0x1800, $0x38;
	[tilespmem:$0x1F280] =	vst v63  }
0x68: {  	_ =	swait.ge [sflag:s14], $0x1800  }
0x69: {  	[sflag:s14] =	ssyncset.done $0x0  }
0x6a: {  	s22 =	rddreg [dreg:$0xe];
	[sflag:s14] =	ssyncadd.s32 $0xFFFFE800  }
0x6b: {  	[spmem:s22] =	stream.linear.scatter [tilespmem:s13], [sflag:$0x5], $0x1800, $0x38;
	[tilespmem:$0x1F280] =	vst v63  }
0x6c: {  	_ =	swait.ge [sflag:s14], $0x1800  }
0x6d: {  	[sflag:s14] =	ssyncset.done $0x0  }
0x6e: {  	s23 =	rddreg [dreg:$0xf];
	[sflag:s14] =	ssyncadd.s32 $0xFFFFE800  }
0x6f: {  	[spmem:s23] =	stream.linear.scatter [tilespmem:s13], [sflag:$0x5], $0x1800, $0x38;
	[tilespmem:$0x1F280] =	vst v63  }
0x70: {  	_ =	swait.ge [sflag:s14], $0x1800  }
0x71: {  	[sflag:s14] =	ssyncset.done $0x0  }
0x72: {  	s24 =	rddreg [dreg:$0x11];
	[sflag:s14] =	ssyncadd.s32 $0xFFFFE800  }
0x73: {  	[spmem:s24] =	stream.linear.scatter [tilespmem:s13], [sflag:$0x5], $0x1800, $0x38;
	[tilespmem:$0x1F280] =	vst v63  }
0x74: {  	_ =	swait.ge [sflag:s14], $0x1800  }
0x75: {  	[sflag:s14] =	ssyncset.done $0x0  }
0x76: {  	s25 =	rddreg [dreg:$0x18];
	[sflag:s14] =	ssyncadd.s32 $0xFFFFE800  }
0x77: {  	[spmem:s25] =	stream.linear.scatter [tilespmem:s13], [sflag:$0x5], $0x1800, $0x38;
	[tilespmem:$0x1F280] =	vst v63  }
0x78: {  	_ =	swait.ge [sflag:s14], $0x1800  }
0x79: {  	[sflag:s14] =	ssyncset.done $0x0  }
0x7a: {  	s26 =	rddreg [dreg:$0x19];
	[sflag:s14] =	ssyncadd.s32 $0xFFFFE800  }
0x7b: {  	[spmem:s26] =	stream.linear.scatter [tilespmem:s13], [sflag:$0x5], $0x1800, $0x38;
	[tilespmem:$0x1F280] =	vst v63  }
0x7c: {  	_ =	swait.ge [sflag:s14], $0x1800  }
0x7d: {  	[sflag:s14] =	ssyncset.done $0x0  }
0x7e: {  	s28 =	rddreg [dreg:$0x1a];
	[sflag:s14] =	ssyncadd.s32 $0xFFFFE800  }
0x7f: {  	[spmem:s28] =	stream.linear.scatter [tilespmem:s13], [sflag:$0x5], $0x1800, $0x38;
	[tilespmem:$0x1F280] =	vst v63  }
0x80: {  	_ =	swait.ge [sflag:s14], $0x1800  }
0x81: {  	[sflag:s14] =	ssyncset.done $0x0  }
0x82: {  	s29 =	rddreg [dreg:$0x1b];
	[sflag:s14] =	ssyncadd.s32 $0xFFFFE800  }
0x83: {  	[spmem:s29] =	stream.linear.scatter [tilespmem:s13], [sflag:$0x5], $0x1800, $0x38;
	[tilespmem:$0x1F280] =	vst v63  }
0x84: {  	_ =	swait.ge [sflag:s14], $0x1800  }
0x85: {  	[sflag:s14] =	ssyncset.done $0x0  }
0x86: {  	s30 =	rddreg [dreg:$0x1c];
	[sflag:s14] =	ssyncadd.s32 $0xFFFFE800  }
0x87: {  	[spmem:s30] =	stream.linear.scatter [tilespmem:s13], [sflag:$0x5], $0x1800, $0x38;
	[tilespmem:$0x1F280] =	vst v63  }
0x88: {  	_ =	swait.ge [sflag:s14], $0x1800  }
0x89: {  	[sflag:s14] =	ssyncset.done $0x0  }
0x8a: {  	s31 =	rddreg [dreg:$0x1d];
	[sflag:s14] =	ssyncadd.s32 $0xFFFFE800  }
0x8b: {  	[spmem:s31] =	stream.linear.scatter [tilespmem:s13], [sflag:$0x5], $0x1800, $0x38;
	[tilespmem:$0x1F280] =	vst v63  }
0x8c: {  	_ =	swait.ge [sflag:s14], $0x1800  }
0x8d: {  	[sflag:s14] =	ssyncset.done $0x0  }
0x8e: {  	[sflag:s14] =	ssyncadd.s32 $0xFFFFE800  }
0x8f: {  	[spmem:s2] =	stream.linear.scatter [tilespmem:s13], [sflag:$0x5], $0x1800, $0x38;
	[tilespmem:$0x1F280] =	vst v63  }
0x90: {  	_ =	swait.ge [sflag:s14], $0x1800  }
0x91: {  	[sflag:s14] =	ssyncset.done $0x0  }
0x92: {  	[sflag:s14] =	ssyncadd.s32 $0xFFFFE800  }
0x93: {  	[spmem:s5] =	stream.linear.scatter [tilespmem:s13], [sflag:$0x5], $0x1800, $0x38;
	[tilespmem:$0x1F280] =	vst v63  }
0x94: {  	_ =	swait.ge [sflag:s14], $0x1800  }
0x95: {  	[sflag:s14] =	ssyncset.done $0x0  }
0x96: {  	s20 =	simm.s32 @!p0 $0xA200;
	[sflag:s14] =	ssyncadd.s32 $0xFFFFE800  }
0x97: {  	[spmem:s6] =	stream.linear.scatter @!p0 [tilespmem:s20], [sflag:$0x5], $0x800, $0x38;
	[tilespmem:$0x1F280] =	vst v63  }
0x98: {  	s20 =	simm.s32 @!p0 $0x5  }
0x99: {  	_ =	swait.ge @!p0 [sflag:s20], $0x800  }
0x9a: {  	[sflag:s20] =	ssyncset.done @!p0 $0x0  }
0x9b: {  	[sflag:s20] =	ssyncadd.s32 @!p0 $0xFFFFF800  }
0x9c: {  	[bflag:$0x0] =	sbarrier.arrive $0xFFFF  }
0x9d: {  	s25 =	rddreg [dreg:$0x17]  }
0x9e: {  	s24 =	rddreg [dreg:$0x16]  }
0x9f: {  	s23 =	rddreg [dreg:$0x15]  }
0xa0: {  	s20 =	simm.s32 $0x0;
	s26 =	rddreg [dreg:$0x14]  }
.LBB2_4:
0xa1: {  	_ =	swait.ge [sflag:s15], $0x50  }
0xa2: {  	[sflag:s15] =	ssyncset.done $0x0  }
0xa3: {  	[sflag:s15] =	ssyncadd.s32 $0xFFFFFFB0  }
0xa4: {  	_ =	swait.ge [sflag:s15], $0x2800  }
0xa5: {  	[sflag:s15] =	ssyncset.done $0x0  }
0xa6: {  	[sflag:s15] =	ssyncadd.s32 $0xFFFFD800  }
0xa7: {  	[spmem:s3] =	stream.indirect.scatter.add.f32 [tilespmem:s7], [sflag:$0x5], $0x80, s4, s16, $0xb8;
	[tilespmem:$0x1F280] =	vst v63  }
0xa8: {  	_ =	swait.ge [sflag:s14], $0x2800  }
0xa9: {  	s22 =	sshrl.u32 s25, $0x3;
	[sflag:s14] =	ssyncset.done $0x0  }
0xaa: {  	s22 =	sadd.s32 s0, s22;
	[sflag:s14] =	ssyncadd.s32 $0xFFFFD800  }
0xab: {  	[tilespmem:s4], [sflag:$0x1] =	stream.linear.gather [hbm4b:s22+s4], $0x50, $0x38;
	[tilespmem:$0x1F280] =	vst v63  }
0xac: {  	s22 =	sadd.s32 s20, s21  }
0xad: {  	s28 =	sadd.s32 $0x1400, s22  }
0xae: {  	[tilespmem:s7], [sflag:$0x1] =	stream.linear.gather [hbm4b:s28+s4], $0x2800, $0x38;
	[tilespmem:$0x1F280] =	vst v63  }
0xaf: {  	_ =	swait.ge [sflag:s17], $0x50  }
0xb0: {  	[sflag:s17] =	ssyncset.done $0x0  }
0xb1: {  	[sflag:s17] =	ssyncadd.s32 $0xFFFFFFB0  }
0xb2: {  	_ =	swait.ge [sflag:s17], $0x2800  }
0xb3: {  	[sflag:s17] =	ssyncset.done $0x0  }
0xb4: {  	[sflag:s17] =	ssyncadd.s32 $0xFFFFD800  }
0xb5: {  	[spmem:s3] =	stream.indirect.scatter.add.f32 [tilespmem:s9], [sflag:$0x5], $0x80, s8, s16, $0xb8;
	[tilespmem:$0x1F280] =	vst v63  }
0xb6: {  	_ =	swait.ge [sflag:s14], $0x2800  }
0xb7: {  	p1 =	seq.s32 s20, $0x25800;
	[sflag:s14] =	ssyncset.done $0x0  }
0xb8: {  	s28 =	simm.s32 @p1 $0x3;
	[sflag:s14] =	ssyncadd.s32 $0xFFFFD800  }
0xb9: {  	_ =	swait.ge @p1 [sflag:s28], $0x50  }
0xba: {  	[sflag:s28] =	ssyncset.done @p1 $0x0  }
0xbb: {  	[sflag:s28] =	ssyncadd.s32 @p1 $0xFFFFFFB0  }
0xbc: {  	_ =	swait.ge @p1 [sflag:s28], $0x2800  }
0xbd: {  	s29 =	simm.s32 @p1 $0x100;
	[sflag:s28] =	ssyncset.done @p1 $0x0  }
0xbe: {  	s30 =	simm.s32 @p1 $0x5200;
	[sflag:s28] =	ssyncadd.s32 @p1 $0xFFFFD800;
	s28 =	simm.s32 @p1 $0x50  }
0xbf: {  	[spmem:s3] =	stream.indirect.scatter.add.f32 @p1 [tilespmem:s30], [sflag:$0x5], $0x80, s29, s28, $0xb8;
	[tilespmem:$0x1F280] =	vst v63  }
0xc0: {  	s28 =	simm.s32 @p1 $0x5  }
0xc1: {  	_ =	swait.ge @p1 [sflag:s28], $0x2800  }
0xc2: {  	[sflag:s28] =	ssyncset.done @p1 $0x0  }
0xc3: {  	s29 =	simm.s32 @!p1 $0x80;
	[sflag:s28] =	ssyncadd.s32 @p1 $0xFFFFD800;
	s28 =	simm.s32 @!p1 $0x0  }
0xc4: {  	[tilespmem:s29], [sflag:$0x2] =	stream.linear.gather @!p1 [hbm4b:s24+s28], $0x50, $0x38;
	[tilespmem:$0x1F280] =	vst v63  }
0xc5: {  	s29 =	sadd.s32 @!p1 s20, s21  }
0xc6: {  	s31 =	simm.s32 @!p1 $0x2A00;
	s30 =	sadd.s32 @!p1 $0x1900, s29  }
0xc7: {  	[tilespmem:s31], [sflag:$0x2] =	stream.linear.gather @!p1 [hbm4b:s30+s28], $0x2800, $0x38;
	[tilespmem:$0x1F280] =	vst v63  }
0xc8: {  	s30 =	simm.s32 @!p1 $0x3  }
0xc9: {  	_ =	swait.ge @!p1 [sflag:s30], $0x50  }
0xca: {  	[sflag:s30] =	ssyncset.done @!p1 $0x0  }
0xcb: {  	[sflag:s30] =	ssyncadd.s32 @!p1 $0xFFFFFFB0  }
0xcc: {  	_ =	swait.ge @!p1 [sflag:s30], $0x2800  }
0xcd: {  	s1 =	simm.s32 @!p1 $0x5200;
	[sflag:s30] =	ssyncset.done @!p1 $0x0  }
0xce: {  	s31 =	simm.s32 @!p1 $0x100;
	[sflag:s30] =	ssyncadd.s32 @!p1 $0xFFFFD800;
	s30 =	simm.s32 @!p1 $0x50  }
0xcf: {  	[spmem:s3] =	stream.indirect.scatter.add.f32 @!p1 [tilespmem:s1], [sflag:$0x5], $0x80, s31, s30, $0xb8;
	[tilespmem:$0x1F280] =	vst v63  }
0xd0: {  	s30 =	simm.s32 @!p1 $0x5  }
0xd1: {  	_ =	swait.ge @!p1 [sflag:s30], $0x2800  }
0xd2: {  	[sflag:s30] =	ssyncset.done @!p1 $0x0  }
0xd3: {  	[sflag:s30] =	ssyncadd.s32 @!p1 $0xFFFFD800  }
0xd4: {  	[tilespmem:s31], [sflag:$0x3] =	stream.linear.gather @!p1 [hbm4b:s23+s28], $0x50, $0x38;
	[tilespmem:$0x1F280] =	vst v63  }
0xd5: {  	s29 =	sadd.s32 @!p1 $0x1E00, s29  }
0xd6: {  	[tilespmem:s1], [sflag:$0x3] =	stream.linear.gather @!p1 [hbm4b:s29+s28], $0x2800, $0x38;
	[tilespmem:$0x1F280] =	vst v63  }
0xd7: {  	_ =	swait.ge [sflag:s18], $0x50  }
0xd8: {  	[sflag:s18] =	ssyncset.done $0x0  }
0xd9: {  	[sflag:s18] =	ssyncadd.s32 $0xFFFFFFB0  }
0xda: {  	_ =	swait.ge [sflag:s18], $0x2800  }
0xdb: {  	[sflag:s18] =	ssyncset.done $0x0  }
.Ltmp3:
0xdc: {  	[sflag:s18] =	ssyncadd.s32 $0xFFFFD800;
	(pc) =	sbr.rel @p1 .LBB2_6-.Ltmp3, $4  }
0xdd: {  	[spmem:s3] =	stream.indirect.scatter.add.f32 [tilespmem:s12], [sflag:$0x5], $0x80, s10, s16, $0xb8;
	[tilespmem:$0x1F280] =	vst v63  }
0xde: {  	_ =	swait.ge [sflag:s14], $0x2800  }
0xdf: {  	[sflag:s14] =	ssyncset.done $0x0  }
0xe0: {  	[sflag:s14] =	ssyncadd.s32 $0xFFFFD800  }
.Ltmp4:
0xe1: {  	(pc) =	sbr.rel .LBB2_4-.Ltmp4, $4  }
0xe2: {  	[tilespmem:s10], [sflag:$0x4] =	stream.linear.gather [hbm4b:s26+s4], $0x50, $0x38;
	[tilespmem:$0x1F280] =	vst v63  }
0xe3: {  	s1 =	sadd.s32 $0x2300, s22;
	s20 =	sadd.s32 $0x1400, s20;
	s26 =	sadd.s32 $0x28, s26  }
0xe4: {  	s23 =	sadd.s32 $0x28, s23;
	s24 =	sadd.s32 $0x28, s24;
	s25 =	sadd.s32 $0x140, s25  }
0xe5: {  	[tilespmem:s12], [sflag:$0x4] =	stream.linear.gather [hbm4b:s1+s4], $0x2800, $0x38;
	[tilespmem:$0x1F280] =	vst v63  }
.LBB2_7:
0xe6: {  	_ =	sfence.sel $0x180000  }
0xe7: {  	[bflag:$0x0] =	sbarrier.arrive $0xFFFF  }
0xe8: {  	_ =	strace $0x90000047  }
0xe9: {  	[bflag:$0x2] =	sbarrier.arrive $0xFFFF  }
0xea: {  	s0 =	rddreg [dreg:$0x4]  }
0xeb: {  	s0 =	sadd.s32 @!p0 $0x100000, s0  }
0xec: {  	[sflag:s0] =	ssyncadd.tile.s32 @!p0 $0x1;
	_ =	shalt  }
.Lfunc_end2:
_tile_overlayer_lowered:
.L_overlay_start_2:
0xed: {  	(tag) =	ssettag $0x2  }
0xee: {  	s0 =	rddreg [dreg:$0x0];
	s2 =	stileid.u32  }
0xef: {  	s1 =	rddreg [dreg:$0x1];
	p0 =	sne.s32 s2, $0x0  }
0xf0: {  	s3 =	rddreg [dreg:$0x2];
	[bflag:$0x3] =	sbarrier.arrive $0xFFFF;
	s2 =	simm.s32 @!p0 $0x1C05  }
0xf1: {  	[timem:s3], [sflag:s2] =	dma.local @!p0 [hbm:s0], s1  }
0xf2: {  	s0 =	simm.s32 @!p0 $0x5  }
0xf3: {  	_ =	swait.ge @!p0 [sflag:s0], s1  }
0xf4: {  	s1 =	ssub.s32 @!p0 $0x0, s1;
	[sflag:s0] =	ssyncset.done @!p0 $0x0  }
0xf5: {  	[sflag:s0] =	ssyncadd.s32 @!p0 s1  }
0xf6: {  	[bflag:$0x3] =	sbarrier.arrive $0xFFFF  }
0xf7: {  	_ =	shalt  }

</sc_bundles>
